<compile_context>
chip_gen: v7x
topology: tpu7x:2x2x1
jax: 0.10.2.dev20260603
libtpu: 0.0.44.dev20260713+nightly
codegen_flags: <defaults>
</compile_context>

<pallas_src>
import functools

import jax
import jax.numpy as jnp
from jax import lax
from jax.experimental import pallas as pl
from jax.experimental.pallas import tpu as pltpu
from jax.experimental.pallas import tpu_sc as plsc

_NUM_FIELDS = 26
_VOCAB = 100000
_EMBED_DIM = 32
_BATCH = 16384

_LANES = 16
_NC = 2
_NS = 16

_BCHUNK = 4096
_NCHUNK = _BATCH // _BCHUNK
_UNROLL = 16


def _build():
    mesh = plsc.VectorSubcoreMesh(core_axis_name="c", subcore_axis_name="s")

    @functools.partial(
        pl.kernel,
        mesh=mesh,
        out_type=jax.ShapeDtypeStruct((_NUM_FIELDS, _EMBED_DIM, _BATCH), jnp.float32),
        scratch_types=[
            pltpu.VMEM((_VOCAB,), jnp.float32),
            pltpu.VMEM((_BATCH,), jnp.int32),
            pltpu.VMEM((2, _BCHUNK), jnp.float32),
            pltpu.VMEM_SHARED((2, _BATCH), jnp.int32),
            pltpu.SemaphoreType.DMA,
            pltpu.SemaphoreType.DMA,
            pltpu.SemaphoreType.DMA,
        ],
        compiler_params=pltpu.CompilerParams(
            use_tc_tiling_on_sc=True, needs_layout_passes=False
        ),
    )
    def lookup_kernel(
        w_hbm, x_hbm, out_hbm, row_v, xbuf, obuf, xsh, sem_x, sem_r, sem_w
    ):
        sid = lax.axis_index("s")
        d = sid * _NC + lax.axis_index("c")

        def wait_write():
            pltpu.make_async_copy(
                obuf.at[0], out_hbm.at[0, d, pl.ds(0, _BCHUNK)], sem_w
            ).wait()

        @pl.when(sid == 0)
        def _():
            pltpu.async_copy(x_hbm.at[0], xsh.at[0], sem_x)

        def per_field(f, carry):
            slot = lax.rem(f, 2)
            lead_now = sid == lax.rem(f, _NS)
            lead_next = sid == lax.rem(f + 1, _NS)

            pltpu.async_copy(w_hbm.at[f, d], row_v, sem_r)

            @pl.when(lead_now)
            def _():
                pltpu.make_async_copy(x_hbm.at[f], xsh.at[slot], sem_x).wait()

            plsc.subcore_barrier()

            @pl.when(jnp.logical_and(lead_next, f + 1 < _NUM_FIELDS))
            def _():
                pltpu.async_copy(x_hbm.at[f + 1], xsh.at[1 - slot], sem_x)

            pltpu.sync_copy(xsh.at[slot], xbuf)
            pltpu.make_async_copy(w_hbm.at[f, d], row_v, sem_r).wait()

            for c in range(_NCHUNK):
                b = c % 2

                @pl.when(f * _NCHUNK + c >= 2)
                def _():
                    wait_write()

                @plsc.parallel_loop(0, _BCHUNK // _LANES, step=1, unroll=_UNROLL)
                def _(i):
                    idx = xbuf[pl.ds(c * _BCHUNK + i * _LANES, _LANES)]
                    obuf[b, pl.ds(i * _LANES, _LANES)] = plsc.load_gather(
                        row_v, [idx]
                    )

                pltpu.async_copy(
                    obuf.at[b], out_hbm.at[f, d, pl.ds(c * _BCHUNK, _BCHUNK)], sem_w
                )
            return carry

        lax.fori_loop(0, _NUM_FIELDS, per_field, 0)
        wait_write()
        wait_write()

    return lookup_kernel


_LOOKUP = _build()


def kernel(x, W):
    w_t = jnp.transpose(W, (0, 2, 1))
    x_t = jnp.transpose(x, (1, 0))
    out_t = _LOOKUP(w_t, x_t)
    return jnp.transpose(out_t, (2, 0, 1))

# --- scband reference (transcript-rebuilt; emitter-appended) ---
"""Pipeline reference for scband-feature-embedding-9053791060314 (READ-ONLY COPY).

The authoritative reference and input builder live on the scoring server;
editing this copy changes nothing except your own understanding.
"""

import jax, jax.numpy as jnp
import numpy as np

NUM_FIELDS = 26
VOCAB = 100000
EMBED_DIM = 32
BATCH = 16384


def setup_inputs(seed: int = 0) -> dict:
    key = jax.random.key(seed)
    k_x, k_w = jax.random.split(key)
    x = jax.random.randint(k_x, (BATCH, NUM_FIELDS), 0, VOCAB, dtype=jnp.int32)
    # Xavier uniform init per embedding table: bound = sqrt(6 / (fan_in + fan_out))
    bound = np.sqrt(6.0 / (VOCAB + EMBED_DIM))
    W = jax.random.uniform(k_w, (NUM_FIELDS, VOCAB, EMBED_DIM), dtype=jnp.float32, minval=-bound, maxval=bound)
    return {"x": x, "W": W}


def reference(x, W):
    # Faithful to: torch.stack([embedding(x[:, i]) for i, embedding in enumerate(self.embedding)], dim=1)
    # W[i] is the i-th field's embedding table; gather rows by x[:, i].
    outs = [jnp.take(W[i], x[:, i], axis=0) for i in range(NUM_FIELDS)]
    return jnp.stack(outs, axis=1)  # (batch, num_fields, embed_dim)

if __name__ == "__main__":
    import jax
    _d = setup_inputs()
    print(jax.jit(kernel)(*tuple(_d.values())))

</pallas_src>

<mosaic_0001>
#map = affine_map<(d0, d1) -> (0, 0, 0)>
#map1 = affine_map<(d0, d1) -> (0, 0)>
module attributes {stable_mosaic.version = 14 : i64} {
  func.func @lookup_kernel(%arg0: i32, %arg1: i32, %arg2: memref<26x32x100000xf32, #tpu.memory_space<hbm>>, %arg3: memref<26x16384xi32, #tpu.memory_space<hbm>>, %arg4: memref<26x32x16384xf32, #tpu.memory_space<hbm>>, %arg5: memref<100000xf32, #tpu.memory_space<vmem>>, %arg6: memref<16384xi32, #tpu.memory_space<vmem>>, %arg7: memref<2x4096xf32, #tpu.memory_space<vmem>>, %arg8: memref<2x16384xi32, #tpu.memory_space<vmem_shared>>, %arg9: memref<!tpu.dma_semaphore, #tpu.memory_space<semaphore_mem>>, %arg10: memref<!tpu.dma_semaphore, #tpu.memory_space<semaphore_mem>>, %arg11: memref<!tpu.dma_semaphore, #tpu.memory_space<semaphore_mem>>) attributes {dimension_semantics = [#tpu.dimension_semantics<core_parallel>, #tpu.dimension_semantics<subcore_parallel>], iteration_bounds = array<i64: 2, 16>, scalar_prefetch = 0 : i64, scratch_operands = 7 : i64, tpu.core_type = #tpu.core_type<sc_vector_subcore>, window_params = [{transform_indices = #map}, {transform_indices = #map1}, {transform_indices = #map}]} {
    %mul3A = arith.constant 2 : i32
    %mul3A_0 = arith.muli %arg1, %mul3A : i32
    %add3A = arith.addi %mul3A_0, %arg0 : i32
    %eq3A = arith.constant 0 : i32
    %eq3A_1 = arith.cmpi eq, %arg1, %eq3A : i32
    %convert_element_type3A = arith.extui %eq3A_1 : i1 to i32
    %cond3A = arith.constant 0 : i32
    %cond3A_2 = arith.cmpi ne, %convert_element_type3A, %cond3A : i32
    scf.if %cond3A_2 {
      %dma_start3A = arith.constant 0 : i32
      %dma_start3A_35 = arith.constant 0 : i32
      %dma_start3A_36 = arith.constant 0 : i32
      %dma_start3A_37 = tpu.memref_slice %arg8[%dma_start3A_35, %dma_start3A_36] : memref<2x16384xi32, #tpu.memory_space<vmem_shared>> -> memref<1x16384xi32, #tpu.memory_space<vmem_shared>>
      %dma_start3A_38 = tpu.memref_squeeze %dma_start3A_37 : memref<1x16384xi32, #tpu.memory_space<vmem_shared>> -> memref<16384xi32, #tpu.memory_space<vmem_shared>>
      %dma_start3A_39 = arith.constant 0 : i32
      %dma_start3A_40 = tpu.memref_slice %arg3[%dma_start3A, %dma_start3A_39] : memref<26x16384xi32, #tpu.memory_space<hbm>> -> memref<1x16384xi32, #tpu.memory_space<hbm>>
      %dma_start3A_41 = tpu.memref_squeeze %dma_start3A_40 : memref<1x16384xi32, #tpu.memory_space<hbm>> -> memref<16384xi32, #tpu.memory_space<hbm>>
      tpu.enqueue_dma source(%dma_start3A_41 : memref<16384xi32, #tpu.memory_space<hbm>>) target(%dma_start3A_38 : memref<16384xi32, #tpu.memory_space<vmem_shared>>) target_semaphore(%arg9 : memref<!tpu.dma_semaphore, #tpu.memory_space<semaphore_mem>>)
    } else {
    }
    %scan3A = arith.constant 0 : i32
    %scan3A_3 = arith.constant 0 : i32
    %scan3A_4 = arith.constant 26 : i32
    %scan3A_5 = arith.addi %scan3A_3, %scan3A_4 : i32
    %scan3A_6 = arith.constant 1 : i32
    scf.for %scan3A_35 = %scan3A_3 to %scan3A_5 step %scan3A_6  : i32 {
      %rem3A = arith.constant 2 : i32
      %rem3A_36 = arith.remsi %scan3A_35, %rem3A : i32
      %rem3A_37 = arith.constant 16 : i32
      %rem3A_38 = arith.remsi %scan3A_35, %rem3A_37 : i32
      %eq3A_39 = arith.cmpi eq, %arg1, %rem3A_38 : i32
      %add3A_40 = arith.constant 1 : i32
      %add3A_41 = arith.addi %scan3A_35, %add3A_40 : i32
      %rem3A_42 = arith.constant 16 : i32
      %rem3A_43 = arith.remsi %add3A_41, %rem3A_42 : i32
      %eq3A_44 = arith.cmpi eq, %arg1, %rem3A_43 : i32
      %dma_start3A = arith.constant 0 : i32
      %dma_start3A_45 = tpu.memref_slice %arg2[%scan3A_35, %add3A, %dma_start3A] : memref<26x32x100000xf32, #tpu.memory_space<hbm>> -> memref<1x1x100000xf32, #tpu.memory_space<hbm>>
      %dma_start3A_46 = tpu.memref_squeeze %dma_start3A_45 : memref<1x1x100000xf32, #tpu.memory_space<hbm>> -> memref<100000xf32, #tpu.memory_space<hbm>>
      %dma_start3A_47 = arith.constant 0 : i32
      %dma_start3A_48 = tpu.memref_slice %arg2[%scan3A_35, %add3A, %dma_start3A_47] : memref<26x32x100000xf32, #tpu.memory_space<hbm>> -> memref<1x1x100000xf32, #tpu.memory_space<hbm>>
      %dma_start3A_49 = tpu.memref_squeeze %dma_start3A_48 : memref<1x1x100000xf32, #tpu.memory_space<hbm>> -> memref<100000xf32, #tpu.memory_space<hbm>>
      tpu.enqueue_dma source(%dma_start3A_49 : memref<100000xf32, #tpu.memory_space<hbm>>) target(%arg5 : memref<100000xf32, #tpu.memory_space<vmem>>) target_semaphore(%arg10 : memref<!tpu.dma_semaphore, #tpu.memory_space<semaphore_mem>>)
      %convert_element_type3A_50 = arith.extui %eq3A_39 : i1 to i32
      %cond3A_51 = arith.constant 0 : i32
      %cond3A_52 = arith.cmpi ne, %convert_element_type3A_50, %cond3A_51 : i32
      scf.if %cond3A_52 {
        %dma_wait3A_163 = arith.constant 0 : i32
        %dma_wait3A_164 = tpu.memref_slice %arg8[%rem3A_36, %dma_wait3A_163] : memref<2x16384xi32, #tpu.memory_space<vmem_shared>> -> memref<1x16384xi32, #tpu.memory_space<vmem_shared>>
        %dma_wait3A_165 = tpu.memref_squeeze %dma_wait3A_164 : memref<1x16384xi32, #tpu.memory_space<vmem_shared>> -> memref<16384xi32, #tpu.memory_space<vmem_shared>>
        %dma_wait3A_166 = arith.constant 0 : i32
        %dma_wait3A_167 = tpu.memref_slice %arg3[%scan3A_35, %dma_wait3A_166] : memref<26x16384xi32, #tpu.memory_space<hbm>> -> memref<1x16384xi32, #tpu.memory_space<hbm>>
        %dma_wait3A_168 = tpu.memref_squeeze %dma_wait3A_167 : memref<1x16384xi32, #tpu.memory_space<hbm>> -> memref<16384xi32, #tpu.memory_space<hbm>>
        tpu.wait_dma2 semaphore(%arg9 : memref<!tpu.dma_semaphore, #tpu.memory_space<semaphore_mem>>) src(%dma_wait3A_168 : memref<16384xi32, #tpu.memory_space<hbm>>) dst(%dma_wait3A_165 : memref<16384xi32, #tpu.memory_space<vmem_shared>>)
      } else {
      }
      %barrier3A = arith.constant 0 : index
      tpu.barrier barrier_id(%barrier3A)
      %add3A_53 = arith.constant 1 : i32
      %add3A_54 = arith.addi %scan3A_35, %add3A_53 : i32
      %lt3A = arith.constant 26 : i32
      %lt3A_55 = arith.cmpi slt, %add3A_54, %lt3A : i32
      %and3A = arith.andi %eq3A_44, %lt3A_55 : i1
      %convert_element_type3A_56 = arith.extui %and3A : i1 to i32
      %cond3A_57 = arith.constant 0 : i32
      %cond3A_58 = arith.cmpi ne, %convert_element_type3A_56, %cond3A_57 : i32
      scf.if %cond3A_58 {
        %add3A_163 = arith.constant 1 : i32
        %add3A_164 = arith.addi %scan3A_35, %add3A_163 : i32
        %sub3A = arith.constant 1 : i32
        %sub3A_165 = arith.subi %sub3A, %rem3A_36 : i32
        %dma_start3A_166 = arith.constant 0 : i32
        %dma_start3A_167 = tpu.memref_slice %arg8[%sub3A_165, %dma_start3A_166] : memref<2x16384xi32, #tpu.memory_space<vmem_shared>> -> memref<1x16384xi32, #tpu.memory_space<vmem_shared>>
        %dma_start3A_168 = tpu.memref_squeeze %dma_start3A_167 : memref<1x16384xi32, #tpu.memory_space<vmem_shared>> -> memref<16384xi32, #tpu.memory_space<vmem_shared>>
        %dma_start3A_169 = arith.constant 0 : i32
        %dma_start3A_170 = tpu.memref_slice %arg3[%add3A_164, %dma_start3A_169] : memref<26x16384xi32, #tpu.memory_space<hbm>> -> memref<1x16384xi32, #tpu.memory_space<hbm>>
        %dma_start3A_171 = tpu.memref_squeeze %dma_start3A_170 : memref<1x16384xi32, #tpu.memory_space<hbm>> -> memref<16384xi32, #tpu.memory_space<hbm>>
        tpu.enqueue_dma source(%dma_start3A_171 : memref<16384xi32, #tpu.memory_space<hbm>>) target(%dma_start3A_168 : memref<16384xi32, #tpu.memory_space<vmem_shared>>) target_semaphore(%arg9 : memref<!tpu.dma_semaphore, #tpu.memory_space<semaphore_mem>>)
      } else {
      }
      "tpu.region"() ({
        %run_scoped3A = tpu.sem_alloc : memref<!tpu.dma_semaphore, #tpu.memory_space<semaphore_mem>>
        %dma_start3A_163 = arith.constant 0 : i32
        %dma_start3A_164 = tpu.memref_slice %arg8[%rem3A_36, %dma_start3A_163] : memref<2x16384xi32, #tpu.memory_space<vmem_shared>> -> memref<1x16384xi32, #tpu.memory_space<vmem_shared>>
        %dma_start3A_165 = tpu.memref_squeeze %dma_start3A_164 : memref<1x16384xi32, #tpu.memory_space<vmem_shared>> -> memref<16384xi32, #tpu.memory_space<vmem_shared>>
        %dma_start3A_166 = arith.constant 0 : i32
        %dma_start3A_167 = tpu.memref_slice %arg8[%rem3A_36, %dma_start3A_166] : memref<2x16384xi32, #tpu.memory_space<vmem_shared>> -> memref<1x16384xi32, #tpu.memory_space<vmem_shared>>
        %dma_start3A_168 = tpu.memref_squeeze %dma_start3A_167 : memref<1x16384xi32, #tpu.memory_space<vmem_shared>> -> memref<16384xi32, #tpu.memory_space<vmem_shared>>
        tpu.enqueue_dma source(%dma_start3A_168 : memref<16384xi32, #tpu.memory_space<vmem_shared>>) target(%arg6 : memref<16384xi32, #tpu.memory_space<vmem>>) target_semaphore(%run_scoped3A : memref<!tpu.dma_semaphore, #tpu.memory_space<semaphore_mem>>)
        %dma_wait3A_169 = arith.constant 0 : i32
        %dma_wait3A_170 = tpu.memref_slice %arg8[%rem3A_36, %dma_wait3A_169] : memref<2x16384xi32, #tpu.memory_space<vmem_shared>> -> memref<1x16384xi32, #tpu.memory_space<vmem_shared>>
        %dma_wait3A_171 = tpu.memref_squeeze %dma_wait3A_170 : memref<1x16384xi32, #tpu.memory_space<vmem_shared>> -> memref<16384xi32, #tpu.memory_space<vmem_shared>>
        %dma_wait3A_172 = arith.constant 0 : i32
        %dma_wait3A_173 = tpu.memref_slice %arg8[%rem3A_36, %dma_wait3A_172] : memref<2x16384xi32, #tpu.memory_space<vmem_shared>> -> memref<1x16384xi32, #tpu.memory_space<vmem_shared>>
        %dma_wait3A_174 = tpu.memref_squeeze %dma_wait3A_173 : memref<1x16384xi32, #tpu.memory_space<vmem_shared>> -> memref<16384xi32, #tpu.memory_space<vmem_shared>>
        tpu.wait_dma2 semaphore(%run_scoped3A : memref<!tpu.dma_semaphore, #tpu.memory_space<semaphore_mem>>) src(%dma_wait3A_174 : memref<16384xi32, #tpu.memory_space<vmem_shared>>) dst(%arg6 : memref<16384xi32, #tpu.memory_space<vmem>>)
        tpu.yield
      }) : () -> ()
      %dma_wait3A_59 = arith.constant 0 : i32
      %dma_wait3A_60 = tpu.memref_slice %arg2[%scan3A_35, %add3A, %dma_wait3A_59] : memref<26x32x100000xf32, #tpu.memory_space<hbm>> -> memref<1x1x100000xf32, #tpu.memory_space<hbm>>
      %dma_wait3A_61 = tpu.memref_squeeze %dma_wait3A_60 : memref<1x1x100000xf32, #tpu.memory_space<hbm>> -> memref<100000xf32, #tpu.memory_space<hbm>>
      %dma_wait3A_62 = arith.constant 0 : i32
      %dma_wait3A_63 = tpu.memref_slice %arg2[%scan3A_35, %add3A, %dma_wait3A_62] : memref<26x32x100000xf32, #tpu.memory_space<hbm>> -> memref<1x1x100000xf32, #tpu.memory_space<hbm>>
      %dma_wait3A_64 = tpu.memref_squeeze %dma_wait3A_63 : memref<1x1x100000xf32, #tpu.memory_space<hbm>> -> memref<100000xf32, #tpu.memory_space<hbm>>
      tpu.wait_dma2 semaphore(%arg10 : memref<!tpu.dma_semaphore, #tpu.memory_space<semaphore_mem>>) src(%dma_wait3A_64 : memref<100000xf32, #tpu.memory_space<hbm>>) dst(%arg5 : memref<100000xf32, #tpu.memory_space<vmem>>)
      %mul3A_65 = arith.constant 4 : i32
      %mul3A_66 = arith.muli %scan3A_35, %mul3A_65 : i32
      %add3A_67 = arith.constant 0 : i32
      %add3A_68 = arith.addi %mul3A_66, %add3A_67 : i32
      %ge3A = arith.constant 2 : i32
      %ge3A_69 = arith.cmpi sge, %add3A_68, %ge3A : i32
      %convert_element_type3A_70 = arith.extui %ge3A_69 : i1 to i32
      %cond3A_71 = arith.constant 0 : i32
      %cond3A_72 = arith.cmpi ne, %convert_element_type3A_70, %cond3A_71 : i32
      scf.if %cond3A_72 {
        %dma_wait3A_163 = arith.constant 0 : i32
        %dma_wait3A_164 = arith.constant 0 : i32
        %dma_wait3A_165 = arith.constant 0 : i32
        %dma_wait3A_166 = tpu.memref_slice %arg7[%dma_wait3A_163, %dma_wait3A_165] : memref<2x4096xf32, #tpu.memory_space<vmem>> -> memref<1x4096xf32, #tpu.memory_space<vmem>>
        %dma_wait3A_167 = tpu.memref_squeeze %dma_wait3A_166 : memref<1x4096xf32, #tpu.memory_space<vmem>> -> memref<4096xf32, #tpu.memory_space<vmem>>
        %dma_wait3A_168 = arith.constant 0 : i32
        %dma_wait3A_169 = tpu.memref_slice %arg4[%dma_wait3A_164, %add3A, %dma_wait3A_168] : memref<26x32x16384xf32, #tpu.memory_space<hbm>> -> memref<1x1x4096xf32, #tpu.memory_space<hbm>>
        %dma_wait3A_170 = tpu.memref_squeeze %dma_wait3A_169 : memref<1x1x4096xf32, #tpu.memory_space<hbm>> -> memref<4096xf32, #tpu.memory_space<hbm>>
        %dma_wait3A_171 = arith.constant 0 : i32
        %dma_wait3A_172 = tpu.memref_slice %arg4[%dma_wait3A_164, %add3A, %dma_wait3A_171] : memref<26x32x16384xf32, #tpu.memory_space<hbm>> -> memref<1x1x4096xf32, #tpu.memory_space<hbm>>
        %dma_wait3A_173 = tpu.memref_squeeze %dma_wait3A_172 : memref<1x1x4096xf32, #tpu.memory_space<hbm>> -> memref<4096xf32, #tpu.memory_space<hbm>>
        %dma_wait3A_174 = arith.constant 0 : i32
        %dma_wait3A_175 = tpu.memref_slice %arg7[%dma_wait3A_163, %dma_wait3A_174] : memref<2x4096xf32, #tpu.memory_space<vmem>> -> memref<1x4096xf32, #tpu.memory_space<vmem>>
        %dma_wait3A_176 = tpu.memref_squeeze %dma_wait3A_175 : memref<1x4096xf32, #tpu.memory_space<vmem>> -> memref<4096xf32, #tpu.memory_space<vmem>>
        tpu.wait_dma2 semaphore(%arg11 : memref<!tpu.dma_semaphore, #tpu.memory_space<semaphore_mem>>) src(%dma_wait3A_176 : memref<4096xf32, #tpu.memory_space<vmem>>) dst(%dma_wait3A_173 : memref<4096xf32, #tpu.memory_space<hbm>>)
      } else {
      }
      %parallel_loop3A = arith.constant 0 : i32
      %parallel_loop3A_73 = arith.constant 256 : i32
      %parallel_loop3A_74 = arith.constant 1 : i32
      scf.for %parallel_loop3A_163 = %parallel_loop3A to %parallel_loop3A_73 step %parallel_loop3A_74  : i32 {
        %parallel_loop3A_164 = arith.constant 16 : i32
        %parallel_loop3A_165 = arith.muli %parallel_loop3A_163, %parallel_loop3A_164 : i32
        %parallel_loop3A_166 = arith.constant 0 : i32
        %parallel_loop3A_167 = arith.addi %parallel_loop3A_166, %parallel_loop3A_165 : i32
        %parallel_loop3A_168 = arith.index_cast %parallel_loop3A_167 : i32 to index
        %parallel_loop3A_169 = tpu.vector_load %arg6[%parallel_loop3A_168] {strides = array<i32>} : memref<16384xi32, #tpu.memory_space<vmem>>, vector<16xi32>,
        %parallel_loop3A_170 = tpu.vector_load_idx %arg5[%parallel_loop3A_169] : memref<100000xf32, #tpu.memory_space<vmem>>[vector<16xi32>], vector<16xf32>,
        %parallel_loop3A_171 = arith.constant 16 : i32
        %parallel_loop3A_172 = arith.muli %parallel_loop3A_163, %parallel_loop3A_171 : i32
        %parallel_loop3A_173 = arith.constant 0 : i32
        %parallel_loop3A_174 = arith.index_cast %parallel_loop3A_173 : i32 to index
        %parallel_loop3A_175 = arith.index_cast %parallel_loop3A_172 : i32 to index
        %parallel_loop3A_176 = tpu.vector_load %arg7[%parallel_loop3A_174, %parallel_loop3A_175] {strides = array<i32>} : memref<2x4096xf32, #tpu.memory_space<vmem>>, vector<16xf32>,
        tpu.vector_store %arg7[%parallel_loop3A_174, %parallel_loop3A_175], %parallel_loop3A_170 {strides = array<i32>} : memref<2x4096xf32, #tpu.memory_space<vmem>>, vector<16xf32>,
      } {sc.loop_unroll_factor = 16 : i64, sc.parallel_access}
      %dma_start3A_75 = arith.constant 0 : i32
      %dma_start3A_76 = arith.constant 0 : i32
      %dma_start3A_77 = tpu.memref_slice %arg7[%dma_start3A_75, %dma_start3A_76] : memref<2x4096xf32, #tpu.memory_space<vmem>> -> memref<1x4096xf32, #tpu.memory_space<vmem>>
      %dma_start3A_78 = tpu.memref_squeeze %dma_start3A_77 : memref<1x4096xf32, #tpu.memory_space<vmem>> -> memref<4096xf32, #tpu.memory_space<vmem>>
      %dma_start3A_79 = arith.constant 0 : i32
      %dma_start3A_80 = tpu.memref_slice %arg4[%scan3A_35, %add3A, %dma_start3A_79] : memref<26x32x16384xf32, #tpu.memory_space<hbm>> -> memref<1x1x4096xf32, #tpu.memory_space<hbm>>
      %dma_start3A_81 = tpu.memref_squeeze %dma_start3A_80 : memref<1x1x4096xf32, #tpu.memory_space<hbm>> -> memref<4096xf32, #tpu.memory_space<hbm>>
      %dma_start3A_82 = arith.constant 0 : i32
      %dma_start3A_83 = tpu.memref_slice %arg4[%scan3A_35, %add3A, %dma_start3A_82] : memref<26x32x16384xf32, #tpu.memory_space<hbm>> -> memref<1x1x4096xf32, #tpu.memory_space<hbm>>
      %dma_start3A_84 = tpu.memref_squeeze %dma_start3A_83 : memref<1x1x4096xf32, #tpu.memory_space<hbm>> -> memref<4096xf32, #tpu.memory_space<hbm>>
      %dma_start3A_85 = arith.constant 0 : i32
      %dma_start3A_86 = tpu.memref_slice %arg7[%dma_start3A_75, %dma_start3A_85] : memref<2x4096xf32, #tpu.memory_space<vmem>> -> memref<1x4096xf32, #tpu.memory_space<vmem>>
      %dma_start3A_87 = tpu.memref_squeeze %dma_start3A_86 : memref<1x4096xf32, #tpu.memory_space<vmem>> -> memref<4096xf32, #tpu.memory_space<vmem>>
      tpu.enqueue_dma source(%dma_start3A_87 : memref<4096xf32, #tpu.memory_space<vmem>>) target(%dma_start3A_84 : memref<4096xf32, #tpu.memory_space<hbm>>) target_semaphore(%arg11 : memref<!tpu.dma_semaphore, #tpu.memory_space<semaphore_mem>>)
      %mul3A_88 = arith.constant 4 : i32
      %mul3A_89 = arith.muli %scan3A_35, %mul3A_88 : i32
      %add3A_90 = arith.constant 1 : i32
      %add3A_91 = arith.addi %mul3A_89, %add3A_90 : i32
      %ge3A_92 = arith.constant 2 : i32
      %ge3A_93 = arith.cmpi sge, %add3A_91, %ge3A_92 : i32
      %convert_element_type3A_94 = arith.extui %ge3A_93 : i1 to i32
      %cond3A_95 = arith.constant 0 : i32
      %cond3A_96 = arith.cmpi ne, %convert_element_type3A_94, %cond3A_95 : i32
      scf.if %cond3A_96 {
        %dma_wait3A_163 = arith.constant 0 : i32
        %dma_wait3A_164 = arith.constant 0 : i32
        %dma_wait3A_165 = arith.constant 0 : i32
        %dma_wait3A_166 = tpu.memref_slice %arg7[%dma_wait3A_163, %dma_wait3A_165] : memref<2x4096xf32, #tpu.memory_space<vmem>> -> memref<1x4096xf32, #tpu.memory_space<vmem>>
        %dma_wait3A_167 = tpu.memref_squeeze %dma_wait3A_166 : memref<1x4096xf32, #tpu.memory_space<vmem>> -> memref<4096xf32, #tpu.memory_space<vmem>>
        %dma_wait3A_168 = arith.constant 0 : i32
        %dma_wait3A_169 = tpu.memref_slice %arg4[%dma_wait3A_164, %add3A, %dma_wait3A_168] : memref<26x32x16384xf32, #tpu.memory_space<hbm>> -> memref<1x1x4096xf32, #tpu.memory_space<hbm>>
        %dma_wait3A_170 = tpu.memref_squeeze %dma_wait3A_169 : memref<1x1x4096xf32, #tpu.memory_space<hbm>> -> memref<4096xf32, #tpu.memory_space<hbm>>
        %dma_wait3A_171 = arith.constant 0 : i32
        %dma_wait3A_172 = tpu.memref_slice %arg4[%dma_wait3A_164, %add3A, %dma_wait3A_171] : memref<26x32x16384xf32, #tpu.memory_space<hbm>> -> memref<1x1x4096xf32, #tpu.memory_space<hbm>>
        %dma_wait3A_173 = tpu.memref_squeeze %dma_wait3A_172 : memref<1x1x4096xf32, #tpu.memory_space<hbm>> -> memref<4096xf32, #tpu.memory_space<hbm>>
        %dma_wait3A_174 = arith.constant 0 : i32
        %dma_wait3A_175 = tpu.memref_slice %arg7[%dma_wait3A_163, %dma_wait3A_174] : memref<2x4096xf32, #tpu.memory_space<vmem>> -> memref<1x4096xf32, #tpu.memory_space<vmem>>
        %dma_wait3A_176 = tpu.memref_squeeze %dma_wait3A_175 : memref<1x4096xf32, #tpu.memory_space<vmem>> -> memref<4096xf32, #tpu.memory_space<vmem>>
        tpu.wait_dma2 semaphore(%arg11 : memref<!tpu.dma_semaphore, #tpu.memory_space<semaphore_mem>>) src(%dma_wait3A_176 : memref<4096xf32, #tpu.memory_space<vmem>>) dst(%dma_wait3A_173 : memref<4096xf32, #tpu.memory_space<hbm>>)
      } else {
      }
      %parallel_loop3A_97 = arith.constant 0 : i32
      %parallel_loop3A_98 = arith.constant 256 : i32
      %parallel_loop3A_99 = arith.constant 1 : i32
      scf.for %parallel_loop3A_163 = %parallel_loop3A_97 to %parallel_loop3A_98 step %parallel_loop3A_99  : i32 {
        %parallel_loop3A_164 = arith.constant 16 : i32
        %parallel_loop3A_165 = arith.muli %parallel_loop3A_163, %parallel_loop3A_164 : i32
        %parallel_loop3A_166 = arith.constant 4096 : i32
        %parallel_loop3A_167 = arith.addi %parallel_loop3A_166, %parallel_loop3A_165 : i32
        %parallel_loop3A_168 = arith.index_cast %parallel_loop3A_167 : i32 to index
        %parallel_loop3A_169 = tpu.vector_load %arg6[%parallel_loop3A_168] {strides = array<i32>} : memref<16384xi32, #tpu.memory_space<vmem>>, vector<16xi32>,
        %parallel_loop3A_170 = tpu.vector_load_idx %arg5[%parallel_loop3A_169] : memref<100000xf32, #tpu.memory_space<vmem>>[vector<16xi32>], vector<16xf32>,
        %parallel_loop3A_171 = arith.constant 16 : i32
        %parallel_loop3A_172 = arith.muli %parallel_loop3A_163, %parallel_loop3A_171 : i32
        %parallel_loop3A_173 = arith.constant 1 : i32
        %parallel_loop3A_174 = arith.index_cast %parallel_loop3A_173 : i32 to index
        %parallel_loop3A_175 = arith.index_cast %parallel_loop3A_172 : i32 to index
        %parallel_loop3A_176 = tpu.vector_load %arg7[%parallel_loop3A_174, %parallel_loop3A_175] {strides = array<i32>} : memref<2x4096xf32, #tpu.memory_space<vmem>>, vector<16xf32>,
        tpu.vector_store %arg7[%parallel_loop3A_174, %parallel_loop3A_175], %parallel_loop3A_170 {strides = array<i32>} : memref<2x4096xf32, #tpu.memory_space<vmem>>, vector<16xf32>,
      } {sc.loop_unroll_factor = 16 : i64, sc.parallel_access}
      %dma_start3A_100 = arith.constant 1 : i32
      %dma_start3A_101 = arith.constant 0 : i32
      %dma_start3A_102 = tpu.memref_slice %arg7[%dma_start3A_100, %dma_start3A_101] : memref<2x4096xf32, #tpu.memory_space<vmem>> -> memref<1x4096xf32, #tpu.memory_space<vmem>>
      %dma_start3A_103 = tpu.memref_squeeze %dma_start3A_102 : memref<1x4096xf32, #tpu.memory_space<vmem>> -> memref<4096xf32, #tpu.memory_space<vmem>>
      %dma_start3A_104 = arith.constant 4096 : i32
      %dma_start3A_105 = tpu.memref_slice %arg4[%scan3A_35, %add3A, %dma_start3A_104] : memref<26x32x16384xf32, #tpu.memory_space<hbm>> -> memref<1x1x4096xf32, #tpu.memory_space<hbm>>
      %dma_start3A_106 = tpu.memref_squeeze %dma_start3A_105 : memref<1x1x4096xf32, #tpu.memory_space<hbm>> -> memref<4096xf32, #tpu.memory_space<hbm>>
      %dma_start3A_107 = arith.constant 4096 : i32
      %dma_start3A_108 = tpu.memref_slice %arg4[%scan3A_35, %add3A, %dma_start3A_107] : memref<26x32x16384xf32, #tpu.memory_space<hbm>> -> memref<1x1x4096xf32, #tpu.memory_space<hbm>>
      %dma_start3A_109 = tpu.memref_squeeze %dma_start3A_108 : memref<1x1x4096xf32, #tpu.memory_space<hbm>> -> memref<4096xf32, #tpu.memory_space<hbm>>
      %dma_start3A_110 = arith.constant 0 : i32
      %dma_start3A_111 = tpu.memref_slice %arg7[%dma_start3A_100, %dma_start3A_110] : memref<2x4096xf32, #tpu.memory_space<vmem>> -> memref<1x4096xf32, #tpu.memory_space<vmem>>
      %dma_start3A_112 = tpu.memref_squeeze %dma_start3A_111 : memref<1x4096xf32, #tpu.memory_space<vmem>> -> memref<4096xf32, #tpu.memory_space<vmem>>
      tpu.enqueue_dma source(%dma_start3A_112 : memref<4096xf32, #tpu.memory_space<vmem>>) target(%dma_start3A_109 : memref<4096xf32, #tpu.memory_space<hbm>>) target_semaphore(%arg11 : memref<!tpu.dma_semaphore, #tpu.memory_space<semaphore_mem>>)
      %mul3A_113 = arith.constant 4 : i32
      %mul3A_114 = arith.muli %scan3A_35, %mul3A_113 : i32
      %add3A_115 = arith.constant 2 : i32
      %add3A_116 = arith.addi %mul3A_114, %add3A_115 : i32
      %ge3A_117 = arith.constant 2 : i32
      %ge3A_118 = arith.cmpi sge, %add3A_116, %ge3A_117 : i32
      %convert_element_type3A_119 = arith.extui %ge3A_118 : i1 to i32
      %cond3A_120 = arith.constant 0 : i32
      %cond3A_121 = arith.cmpi ne, %convert_element_type3A_119, %cond3A_120 : i32
      scf.if %cond3A_121 {
        %dma_wait3A_163 = arith.constant 0 : i32
        %dma_wait3A_164 = arith.constant 0 : i32
        %dma_wait3A_165 = arith.constant 0 : i32
        %dma_wait3A_166 = tpu.memref_slice %arg7[%dma_wait3A_163, %dma_wait3A_165] : memref<2x4096xf32, #tpu.memory_space<vmem>> -> memref<1x4096xf32, #tpu.memory_space<vmem>>
        %dma_wait3A_167 = tpu.memref_squeeze %dma_wait3A_166 : memref<1x4096xf32, #tpu.memory_space<vmem>> -> memref<4096xf32, #tpu.memory_space<vmem>>
        %dma_wait3A_168 = arith.constant 0 : i32
        %dma_wait3A_169 = tpu.memref_slice %arg4[%dma_wait3A_164, %add3A, %dma_wait3A_168] : memref<26x32x16384xf32, #tpu.memory_space<hbm>> -> memref<1x1x4096xf32, #tpu.memory_space<hbm>>
        %dma_wait3A_170 = tpu.memref_squeeze %dma_wait3A_169 : memref<1x1x4096xf32, #tpu.memory_space<hbm>> -> memref<4096xf32, #tpu.memory_space<hbm>>
        %dma_wait3A_171 = arith.constant 0 : i32
        %dma_wait3A_172 = tpu.memref_slice %arg4[%dma_wait3A_164, %add3A, %dma_wait3A_171] : memref<26x32x16384xf32, #tpu.memory_space<hbm>> -> memref<1x1x4096xf32, #tpu.memory_space<hbm>>
        %dma_wait3A_173 = tpu.memref_squeeze %dma_wait3A_172 : memref<1x1x4096xf32, #tpu.memory_space<hbm>> -> memref<4096xf32, #tpu.memory_space<hbm>>
        %dma_wait3A_174 = arith.constant 0 : i32
        %dma_wait3A_175 = tpu.memref_slice %arg7[%dma_wait3A_163, %dma_wait3A_174] : memref<2x4096xf32, #tpu.memory_space<vmem>> -> memref<1x4096xf32, #tpu.memory_space<vmem>>
        %dma_wait3A_176 = tpu.memref_squeeze %dma_wait3A_175 : memref<1x4096xf32, #tpu.memory_space<vmem>> -> memref<4096xf32, #tpu.memory_space<vmem>>
        tpu.wait_dma2 semaphore(%arg11 : memref<!tpu.dma_semaphore, #tpu.memory_space<semaphore_mem>>) src(%dma_wait3A_176 : memref<4096xf32, #tpu.memory_space<vmem>>) dst(%dma_wait3A_173 : memref<4096xf32, #tpu.memory_space<hbm>>)
      } else {
      }
      %parallel_loop3A_122 = arith.constant 0 : i32
      %parallel_loop3A_123 = arith.constant 256 : i32
      %parallel_loop3A_124 = arith.constant 1 : i32
      scf.for %parallel_loop3A_163 = %parallel_loop3A_122 to %parallel_loop3A_123 step %parallel_loop3A_124  : i32 {
        %parallel_loop3A_164 = arith.constant 16 : i32
        %parallel_loop3A_165 = arith.muli %parallel_loop3A_163, %parallel_loop3A_164 : i32
        %parallel_loop3A_166 = arith.constant 8192 : i32
        %parallel_loop3A_167 = arith.addi %parallel_loop3A_166, %parallel_loop3A_165 : i32
        %parallel_loop3A_168 = arith.index_cast %parallel_loop3A_167 : i32 to index
        %parallel_loop3A_169 = tpu.vector_load %arg6[%parallel_loop3A_168] {strides = array<i32>} : memref<16384xi32, #tpu.memory_space<vmem>>, vector<16xi32>,
        %parallel_loop3A_170 = tpu.vector_load_idx %arg5[%parallel_loop3A_169] : memref<100000xf32, #tpu.memory_space<vmem>>[vector<16xi32>], vector<16xf32>,
        %parallel_loop3A_171 = arith.constant 16 : i32
        %parallel_loop3A_172 = arith.muli %parallel_loop3A_163, %parallel_loop3A_171 : i32
        %parallel_loop3A_173 = arith.constant 0 : i32
        %parallel_loop3A_174 = arith.index_cast %parallel_loop3A_173 : i32 to index
        %parallel_loop3A_175 = arith.index_cast %parallel_loop3A_172 : i32 to index
        %parallel_loop3A_176 = tpu.vector_load %arg7[%parallel_loop3A_174, %parallel_loop3A_175] {strides = array<i32>} : memref<2x4096xf32, #tpu.memory_space<vmem>>, vector<16xf32>,
        tpu.vector_store %arg7[%parallel_loop3A_174, %parallel_loop3A_175], %parallel_loop3A_170 {strides = array<i32>} : memref<2x4096xf32, #tpu.memory_space<vmem>>, vector<16xf32>,
      } {sc.loop_unroll_factor = 16 : i64, sc.parallel_access}
      %dma_start3A_125 = arith.constant 0 : i32
      %dma_start3A_126 = arith.constant 0 : i32
      %dma_start3A_127 = tpu.memref_slice %arg7[%dma_start3A_125, %dma_start3A_126] : memref<2x4096xf32, #tpu.memory_space<vmem>> -> memref<1x4096xf32, #tpu.memory_space<vmem>>
      %dma_start3A_128 = tpu.memref_squeeze %dma_start3A_127 : memref<1x4096xf32, #tpu.memory_space<vmem>> -> memref<4096xf32, #tpu.memory_space<vmem>>
      %dma_start3A_129 = arith.constant 8192 : i32
      %dma_start3A_130 = tpu.memref_slice %arg4[%scan3A_35, %add3A, %dma_start3A_129] : memref<26x32x16384xf32, #tpu.memory_space<hbm>> -> memref<1x1x4096xf32, #tpu.memory_space<hbm>>
      %dma_start3A_131 = tpu.memref_squeeze %dma_start3A_130 : memref<1x1x4096xf32, #tpu.memory_space<hbm>> -> memref<4096xf32, #tpu.memory_space<hbm>>
      %dma_start3A_132 = arith.constant 8192 : i32
      %dma_start3A_133 = tpu.memref_slice %arg4[%scan3A_35, %add3A, %dma_start3A_132] : memref<26x32x16384xf32, #tpu.memory_space<hbm>> -> memref<1x1x4096xf32, #tpu.memory_space<hbm>>
      %dma_start3A_134 = tpu.memref_squeeze %dma_start3A_133 : memref<1x1x4096xf32, #tpu.memory_space<hbm>> -> memref<4096xf32, #tpu.memory_space<hbm>>
      %dma_start3A_135 = arith.constant 0 : i32
      %dma_start3A_136 = tpu.memref_slice %arg7[%dma_start3A_125, %dma_start3A_135] : memref<2x4096xf32, #tpu.memory_space<vmem>> -> memref<1x4096xf32, #tpu.memory_space<vmem>>
      %dma_start3A_137 = tpu.memref_squeeze %dma_start3A_136 : memref<1x4096xf32, #tpu.memory_space<vmem>> -> memref<4096xf32, #tpu.memory_space<vmem>>
      tpu.enqueue_dma source(%dma_start3A_137 : memref<4096xf32, #tpu.memory_space<vmem>>) target(%dma_start3A_134 : memref<4096xf32, #tpu.memory_space<hbm>>) target_semaphore(%arg11 : memref<!tpu.dma_semaphore, #tpu.memory_space<semaphore_mem>>)
      %mul3A_138 = arith.constant 4 : i32
      %mul3A_139 = arith.muli %scan3A_35, %mul3A_138 : i32
      %add3A_140 = arith.constant 3 : i32
      %add3A_141 = arith.addi %mul3A_139, %add3A_140 : i32
      %ge3A_142 = arith.constant 2 : i32
      %ge3A_143 = arith.cmpi sge, %add3A_141, %ge3A_142 : i32
      %convert_element_type3A_144 = arith.extui %ge3A_143 : i1 to i32
      %cond3A_145 = arith.constant 0 : i32
      %cond3A_146 = arith.cmpi ne, %convert_element_type3A_144, %cond3A_145 : i32
      scf.if %cond3A_146 {
        %dma_wait3A_163 = arith.constant 0 : i32
        %dma_wait3A_164 = arith.constant 0 : i32
        %dma_wait3A_165 = arith.constant 0 : i32
        %dma_wait3A_166 = tpu.memref_slice %arg7[%dma_wait3A_163, %dma_wait3A_165] : memref<2x4096xf32, #tpu.memory_space<vmem>> -> memref<1x4096xf32, #tpu.memory_space<vmem>>
        %dma_wait3A_167 = tpu.memref_squeeze %dma_wait3A_166 : memref<1x4096xf32, #tpu.memory_space<vmem>> -> memref<4096xf32, #tpu.memory_space<vmem>>
        %dma_wait3A_168 = arith.constant 0 : i32
        %dma_wait3A_169 = tpu.memref_slice %arg4[%dma_wait3A_164, %add3A, %dma_wait3A_168] : memref<26x32x16384xf32, #tpu.memory_space<hbm>> -> memref<1x1x4096xf32, #tpu.memory_space<hbm>>
        %dma_wait3A_170 = tpu.memref_squeeze %dma_wait3A_169 : memref<1x1x4096xf32, #tpu.memory_space<hbm>> -> memref<4096xf32, #tpu.memory_space<hbm>>
        %dma_wait3A_171 = arith.constant 0 : i32
        %dma_wait3A_172 = tpu.memref_slice %arg4[%dma_wait3A_164, %add3A, %dma_wait3A_171] : memref<26x32x16384xf32, #tpu.memory_space<hbm>> -> memref<1x1x4096xf32, #tpu.memory_space<hbm>>
        %dma_wait3A_173 = tpu.memref_squeeze %dma_wait3A_172 : memref<1x1x4096xf32, #tpu.memory_space<hbm>> -> memref<4096xf32, #tpu.memory_space<hbm>>
        %dma_wait3A_174 = arith.constant 0 : i32
        %dma_wait3A_175 = tpu.memref_slice %arg7[%dma_wait3A_163, %dma_wait3A_174] : memref<2x4096xf32, #tpu.memory_space<vmem>> -> memref<1x4096xf32, #tpu.memory_space<vmem>>
        %dma_wait3A_176 = tpu.memref_squeeze %dma_wait3A_175 : memref<1x4096xf32, #tpu.memory_space<vmem>> -> memref<4096xf32, #tpu.memory_space<vmem>>
        tpu.wait_dma2 semaphore(%arg11 : memref<!tpu.dma_semaphore, #tpu.memory_space<semaphore_mem>>) src(%dma_wait3A_176 : memref<4096xf32, #tpu.memory_space<vmem>>) dst(%dma_wait3A_173 : memref<4096xf32, #tpu.memory_space<hbm>>)
      } else {
      }
      %parallel_loop3A_147 = arith.constant 0 : i32
      %parallel_loop3A_148 = arith.constant 256 : i32
      %parallel_loop3A_149 = arith.constant 1 : i32
      scf.for %parallel_loop3A_163 = %parallel_loop3A_147 to %parallel_loop3A_148 step %parallel_loop3A_149  : i32 {
        %parallel_loop3A_164 = arith.constant 16 : i32
        %parallel_loop3A_165 = arith.muli %parallel_loop3A_163, %parallel_loop3A_164 : i32
        %parallel_loop3A_166 = arith.constant 12288 : i32
        %parallel_loop3A_167 = arith.addi %parallel_loop3A_166, %parallel_loop3A_165 : i32
        %parallel_loop3A_168 = arith.index_cast %parallel_loop3A_167 : i32 to index
        %parallel_loop3A_169 = tpu.vector_load %arg6[%parallel_loop3A_168] {strides = array<i32>} : memref<16384xi32, #tpu.memory_space<vmem>>, vector<16xi32>,
        %parallel_loop3A_170 = tpu.vector_load_idx %arg5[%parallel_loop3A_169] : memref<100000xf32, #tpu.memory_space<vmem>>[vector<16xi32>], vector<16xf32>,
        %parallel_loop3A_171 = arith.constant 16 : i32
        %parallel_loop3A_172 = arith.muli %parallel_loop3A_163, %parallel_loop3A_171 : i32
        %parallel_loop3A_173 = arith.constant 1 : i32
        %parallel_loop3A_174 = arith.index_cast %parallel_loop3A_173 : i32 to index
        %parallel_loop3A_175 = arith.index_cast %parallel_loop3A_172 : i32 to index
        %parallel_loop3A_176 = tpu.vector_load %arg7[%parallel_loop3A_174, %parallel_loop3A_175] {strides = array<i32>} : memref<2x4096xf32, #tpu.memory_space<vmem>>, vector<16xf32>,
        tpu.vector_store %arg7[%parallel_loop3A_174, %parallel_loop3A_175], %parallel_loop3A_170 {strides = array<i32>} : memref<2x4096xf32, #tpu.memory_space<vmem>>, vector<16xf32>,
      } {sc.loop_unroll_factor = 16 : i64, sc.parallel_access}
      %dma_start3A_150 = arith.constant 1 : i32
      %dma_start3A_151 = arith.constant 0 : i32
      %dma_start3A_152 = tpu.memref_slice %arg7[%dma_start3A_150, %dma_start3A_151] : memref<2x4096xf32, #tpu.memory_space<vmem>> -> memref<1x4096xf32, #tpu.memory_space<vmem>>
      %dma_start3A_153 = tpu.memref_squeeze %dma_start3A_152 : memref<1x4096xf32, #tpu.memory_space<vmem>> -> memref<4096xf32, #tpu.memory_space<vmem>>
      %dma_start3A_154 = arith.constant 12288 : i32
      %dma_start3A_155 = tpu.memref_slice %arg4[%scan3A_35, %add3A, %dma_start3A_154] : memref<26x32x16384xf32, #tpu.memory_space<hbm>> -> memref<1x1x4096xf32, #tpu.memory_space<hbm>>
      %dma_start3A_156 = tpu.memref_squeeze %dma_start3A_155 : memref<1x1x4096xf32, #tpu.memory_space<hbm>> -> memref<4096xf32, #tpu.memory_space<hbm>>
      %dma_start3A_157 = arith.constant 12288 : i32
      %dma_start3A_158 = tpu.memref_slice %arg4[%scan3A_35, %add3A, %dma_start3A_157] : memref<26x32x16384xf32, #tpu.memory_space<hbm>> -> memref<1x1x4096xf32, #tpu.memory_space<hbm>>
      %dma_start3A_159 = tpu.memref_squeeze %dma_start3A_158 : memref<1x1x4096xf32, #tpu.memory_space<hbm>> -> memref<4096xf32, #tpu.memory_space<hbm>>
      %dma_start3A_160 = arith.constant 0 : i32
      %dma_start3A_161 = tpu.memref_slice %arg7[%dma_start3A_150, %dma_start3A_160] : memref<2x4096xf32, #tpu.memory_space<vmem>> -> memref<1x4096xf32, #tpu.memory_space<vmem>>
      %dma_start3A_162 = tpu.memref_squeeze %dma_start3A_161 : memref<1x4096xf32, #tpu.memory_space<vmem>> -> memref<4096xf32, #tpu.memory_space<vmem>>
      tpu.enqueue_dma source(%dma_start3A_162 : memref<4096xf32, #tpu.memory_space<vmem>>) target(%dma_start3A_159 : memref<4096xf32, #tpu.memory_space<hbm>>) target_semaphore(%arg11 : memref<!tpu.dma_semaphore, #tpu.memory_space<semaphore_mem>>)
    }
    %scan3A_7 = arith.constant 26 : i32
    %dma_wait3A = arith.constant 0 : i32
    %dma_wait3A_8 = arith.constant 0 : i32
    %dma_wait3A_9 = arith.constant 0 : i32
    %dma_wait3A_10 = tpu.memref_slice %arg7[%dma_wait3A, %dma_wait3A_9] : memref<2x4096xf32, #tpu.memory_space<vmem>> -> memref<1x4096xf32, #tpu.memory_space<vmem>>
    %dma_wait3A_11 = tpu.memref_squeeze %dma_wait3A_10 : memref<1x4096xf32, #tpu.memory_space<vmem>> -> memref<4096xf32, #tpu.memory_space<vmem>>
    %dma_wait3A_12 = arith.constant 0 : i32
    %dma_wait3A_13 = tpu.memref_slice %arg4[%dma_wait3A_8, %add3A, %dma_wait3A_12] : memref<26x32x16384xf32, #tpu.memory_space<hbm>> -> memref<1x1x4096xf32, #tpu.memory_space<hbm>>
    %dma_wait3A_14 = tpu.memref_squeeze %dma_wait3A_13 : memref<1x1x4096xf32, #tpu.memory_space<hbm>> -> memref<4096xf32, #tpu.memory_space<hbm>>
    %dma_wait3A_15 = arith.constant 0 : i32
    %dma_wait3A_16 = tpu.memref_slice %arg4[%dma_wait3A_8, %add3A, %dma_wait3A_15] : memref<26x32x16384xf32, #tpu.memory_space<hbm>> -> memref<1x1x4096xf32, #tpu.memory_space<hbm>>
    %dma_wait3A_17 = tpu.memref_squeeze %dma_wait3A_16 : memref<1x1x4096xf32, #tpu.memory_space<hbm>> -> memref<4096xf32, #tpu.memory_space<hbm>>
    %dma_wait3A_18 = arith.constant 0 : i32
    %dma_wait3A_19 = tpu.memref_slice %arg7[%dma_wait3A, %dma_wait3A_18] : memref<2x4096xf32, #tpu.memory_space<vmem>> -> memref<1x4096xf32, #tpu.memory_space<vmem>>
    %dma_wait3A_20 = tpu.memref_squeeze %dma_wait3A_19 : memref<1x4096xf32, #tpu.memory_space<vmem>> -> memref<4096xf32, #tpu.memory_space<vmem>>
    tpu.wait_dma2 semaphore(%arg11 : memref<!tpu.dma_semaphore, #tpu.memory_space<semaphore_mem>>) src(%dma_wait3A_20 : memref<4096xf32, #tpu.memory_space<vmem>>) dst(%dma_wait3A_17 : memref<4096xf32, #tpu.memory_space<hbm>>)
    %dma_wait3A_21 = arith.constant 0 : i32
    %dma_wait3A_22 = arith.constant 0 : i32
    %dma_wait3A_23 = arith.constant 0 : i32
    %dma_wait3A_24 = tpu.memref_slice %arg7[%dma_wait3A_21, %dma_wait3A_23] : memref<2x4096xf32, #tpu.memory_space<vmem>> -> memref<1x4096xf32, #tpu.memory_space<vmem>>
    %dma_wait3A_25 = tpu.memref_squeeze %dma_wait3A_24 : memref<1x4096xf32, #tpu.memory_space<vmem>> -> memref<4096xf32, #tpu.memory_space<vmem>>
    %dma_wait3A_26 = arith.constant 0 : i32
    %dma_wait3A_27 = tpu.memref_slice %arg4[%dma_wait3A_22, %add3A, %dma_wait3A_26] : memref<26x32x16384xf32, #tpu.memory_space<hbm>> -> memref<1x1x4096xf32, #tpu.memory_space<hbm>>
    %dma_wait3A_28 = tpu.memref_squeeze %dma_wait3A_27 : memref<1x1x4096xf32, #tpu.memory_space<hbm>> -> memref<4096xf32, #tpu.memory_space<hbm>>
    %dma_wait3A_29 = arith.constant 0 : i32
    %dma_wait3A_30 = tpu.memref_slice %arg4[%dma_wait3A_22, %add3A, %dma_wait3A_29] : memref<26x32x16384xf32, #tpu.memory_space<hbm>> -> memref<1x1x4096xf32, #tpu.memory_space<hbm>>
    %dma_wait3A_31 = tpu.memref_squeeze %dma_wait3A_30 : memref<1x1x4096xf32, #tpu.memory_space<hbm>> -> memref<4096xf32, #tpu.memory_space<hbm>>
    %dma_wait3A_32 = arith.constant 0 : i32
    %dma_wait3A_33 = tpu.memref_slice %arg7[%dma_wait3A_21, %dma_wait3A_32] : memref<2x4096xf32, #tpu.memory_space<vmem>> -> memref<1x4096xf32, #tpu.memory_space<vmem>>
    %dma_wait3A_34 = tpu.memref_squeeze %dma_wait3A_33 : memref<1x4096xf32, #tpu.memory_space<vmem>> -> memref<4096xf32, #tpu.memory_space<vmem>>
    tpu.wait_dma2 semaphore(%arg11 : memref<!tpu.dma_semaphore, #tpu.memory_space<semaphore_mem>>) src(%dma_wait3A_34 : memref<4096xf32, #tpu.memory_space<vmem>>) dst(%dma_wait3A_31 : memref<4096xf32, #tpu.memory_space<hbm>>)
    return
  }
}

</mosaic_0001>

<sc_bundles>
// kernel: kernel.3.cloned.1.call-start
scs
__scs_entry_jumppad:
0x0: {  	(pc) =	sbr.rel $0x88, $3  }
0x1: {  	(tag) =	ssettag $0x0;
	lr =	simm.s32 $0x1  }
0x2: {  	[smem:$0x3F9F] =	sst lr;
	_ =	strace $0xD0000000  }
0x3: {  	_ = 	snop  }
0x4: {  	_ = 	snop  }
0x5: {  	_ = 	snop  }
0x6: {  	_ = 	snop  }
0x7: {  	_ = 	snop  }
__scs_overlays_trampoline_lowered:
0x8: {  	[smem:$0x3FAE] =	sst s0  }
0x9: {  	[smem:$0x3FAF] =	sst s1  }
0xa: {  	[smem:$0x3FB0] =	sst s2  }
0xb: {  	[smem:$0x3FB1] =	sst s3  }
0xc: {  	[smem:$0x3FB2] =	sst s4  }
0xd: {  	[smem:$0x3FB3] =	sst s5  }
0xe: {  	[smem:$0x3FB4] =	sst s6  }
0xf: {  	[smem:$0x3FB5] =	sst s7  }
0x10: {  	[smem:$0x3FB6] =	sst s8  }
0x11: {  	[smem:$0x3FB7] =	sst s9;
	s0 =	simm.s32 @!p0 $0x0  }
0x12: {  	s1 =	sld [smem:$0x3F9D];
	s0 =	simm.s32 @p0 $0x1  }
0x13: {  	[smem:$0x3FB8] =	sst s0;
	s0 =	simm.s32 @!p1 $0x0  }
0x14: {  	s2 =	sld [smem:$0x3F9C];
	s0 =	simm.s32 @p1 $0x1  }
0x15: {  	[smem:$0x3FB9] =	sst s0;
	s0 =	simm.s32 @!p2 $0x0  }
0x16: {  	s3 =	sld [smem:$0x3FDB];
	s0 =	simm.s32 @p2 $0x1  }
0x17: {  	s4 =	simm.s32 $0x1BF5;
	[smem:$0x3FBB] =	sst s0  }
0x18: {  	s0 =	sld [smem:$0x3F9E];
	_ =	swait.ge [sflag:s4], $0x0  }
0x19: {  	s7 =	sld [smem:$0x3F9F]  }
0x1a: {  	s8 =	sadd.s32 $0xFFFFE003, lr  }
0x1b: {  	s9 =	sadd.s32 $0xFFFFFEF7, lr;
	s5 =	simm.s32 $0xFFFFFFFF;
	p2 =	slt.u32 s8, $0xFFFFF086  }
0x1c: {  	p1 =	slt.u32 s9, $0xF7A;
	s5 =	simm.s32 @!p2 $0x0  }
0x1d: {  	s5 =	simm.s32 @p1 $0x1;
	p0 =	seq.s32 s7, s2  }
0x1e: {  	s7 =	smul.u32 @!p0 $0xF7A, s2;
	p2 =	seq.s32 @!p0 s5, $0x0  }
0x1f: {  	s9 =	smul.u32 $0xF7A, s1;
	s8 =	simm.s32 @!p0 $0x1BF5;
	p2 =	por !p2, p0  }
0x20: {  	[sflag:s8] =	ssyncset.s32 @!p0 $0xFFFFF086;
	s6 =	sadd.s32 @!p0 s3, s7;
	s7 =	simm.s32 @!p0 $0x108  }
0x21: {  	s3 =	sadd.s32 s3, s9;
	s6 =	sadd.s32 @!p0 $0x88, s6;
	s7 =	simm.s32 @p2 $0x1082  }
0x22: {  	[simem:s7], [sflag:s8] =	dma.local @!p0 [hbm:s6], $0xF7A  }
0x23: {  	s9 =	sor.u32 $0xD0000000, s2;
	s6 =	simm.s32 $0x108;
	_ =	swait.ge @!p0 [sflag:s8], $0x0  }
0x24: {  	s3 =	sadd.s32 $0x88, s3;
	s6 =	simm.s32 @!p1 $0x1082;
	[sflag:s4] =	ssyncset.s32 $0xFFFFF086  }
0x25: {  	[simem:s6], [sflag:s4] =	dma.local [hbm:s3], $0xF7A  }
0x26: {  	[smem:$0x3F9F] =	sst s1;
	(tag) =	ssettag s2;
	_ =	strace s9  }
0x27: {  	s1 =	sld [smem:$0x3FAF]  }
0x28: {  	s2 =	sld [smem:$0x3FB0]  }
0x29: {  	s4 =	sld [smem:$0x3FB2]  }
0x2a: {  	p0 =	seq.s32 s5, $0x0;
	s5 =	sld [smem:$0x3FB3]  }
0x2b: {  	s6 =	sld [smem:$0x3FB4]  }
0x2c: {  	s7 =	sld [smem:$0x3FB5]  }
0x2d: {  	s3 =	simm.s32 $0x108;
	s8 =	sld [smem:$0x3FB6]  }
0x2e: {  	s3 =	simm.s32 @!p0 $0x1082;
	s9 =	sld [smem:$0x3FB7]  }
0x2f: {  	lr =	sadd.s32 s0, s3;
	s0 =	sld [smem:$0x3FAE]  }
0x30: {  	s3 =	sld [smem:$0x3FB1]  }
0x31: {  	[smem:$0x3FBA] =	sst s10  }
0x32: {  	s10 =	sld [smem:$0x3FB8];
	_ =	sdelay $0x3  }
0x33: {  	p0 =	seq.s32 s10, $0x1;
	s10 =	sld [smem:$0x3FBA];
	_ =	sdelay $0x3  }
0x34: {  	[smem:$0x3FBA] =	sst s10  }
0x35: {  	s10 =	sld [smem:$0x3FB9];
	_ =	sdelay $0x3  }
0x36: {  	p1 =	seq.s32 s10, $0x1;
	s10 =	sld [smem:$0x3FBA];
	_ =	sdelay $0x3  }
0x37: {  	[smem:$0x3FBA] =	sst s10  }
0x38: {  	s10 =	sld [smem:$0x3FBB]  }
0x39: {  	_ = 	snop;
	(pc) =	sbr.ind lr, $3  }
0x3a: {  	_ = 	snop  }
0x3b: {  	_ = 	snop  }
0x3c: {  	p2 =	seq.s32 s10, $0x1;
	s10 =	sld [smem:$0x3FBA]  }
0x3d: {  	_ =	shalt  }
0x3e: {  	_ =	shalt  }
0x3f: {  	_ =	shalt  }
0x40: {  	_ =	shalt  }
0x41: {  	_ =	shalt  }
0x42: {  	_ =	shalt  }
0x43: {  	_ =	shalt  }
0x44: {  	_ =	shalt  }
0x45: {  	_ =	shalt  }
0x46: {  	_ =	shalt  }
0x47: {  	_ =	shalt  }
0x48: {  	_ =	shalt  }
0x49: {  	_ =	shalt  }
0x4a: {  	_ =	shalt  }
0x4b: {  	_ =	shalt  }
0x4c: {  	_ =	shalt  }
0x4d: {  	_ =	shalt  }
0x4e: {  	_ =	shalt  }
0x4f: {  	_ =	shalt  }
0x50: {  	_ =	shalt  }
0x51: {  	_ =	shalt  }
0x52: {  	_ =	shalt  }
0x53: {  	_ =	shalt  }
0x54: {  	_ =	shalt  }
0x55: {  	_ =	shalt  }
0x56: {  	_ =	shalt  }
0x57: {  	_ =	shalt  }
0x58: {  	_ =	shalt  }
0x59: {  	_ =	shalt  }
0x5a: {  	_ =	shalt  }
0x5b: {  	_ =	shalt  }
0x5c: {  	_ =	shalt  }
0x5d: {  	_ =	shalt  }
0x5e: {  	_ =	shalt  }
0x5f: {  	_ =	shalt  }
0x60: {  	_ =	shalt  }
0x61: {  	_ =	shalt  }
0x62: {  	_ =	shalt  }
0x63: {  	_ =	shalt  }
0x64: {  	_ =	shalt  }
0x65: {  	_ =	shalt  }
0x66: {  	_ =	shalt  }
0x67: {  	_ =	shalt  }
0x68: {  	_ =	shalt  }
0x69: {  	_ =	shalt  }
0x6a: {  	_ =	shalt  }
0x6b: {  	_ =	shalt  }
0x6c: {  	_ =	shalt  }
0x6d: {  	_ =	shalt  }
0x6e: {  	_ =	shalt  }
0x6f: {  	_ =	shalt  }
0x70: {  	_ =	shalt  }
0x71: {  	_ =	shalt  }
0x72: {  	_ =	shalt  }
0x73: {  	_ =	shalt  }
0x74: {  	_ =	shalt  }
0x75: {  	_ =	shalt  }
0x76: {  	_ =	shalt  }
0x77: {  	_ =	shalt  }
0x78: {  	_ =	shalt  }
0x79: {  	_ =	shalt  }
0x7a: {  	_ =	shalt  }
0x7b: {  	_ =	shalt  }
0x7c: {  	_ =	shalt  }
0x7d: {  	_ =	shalt  }
0x7e: {  	_ =	shalt  }
0x7f: {  	_ =	shalt  }
0x80: {  	_ =	shalt  }
0x81: {  	_ =	shalt  }
0x82: {  	_ =	shalt  }
0x83: {  	_ =	shalt  }
0x84: {  	_ =	shalt  }
0x85: {  	_ =	shalt  }
0x86: {  	_ =	shalt  }
0x87: {  	_ =	shalt  }
.Lfunc_end0:
.L_simem_size_0:
called_computation_lowered:
.L_overlay_start_0:
0x88: {  	s2 =	sld [smem:$0x3FD9]  }
0x89: {  	s3 =	sld [smem:$0x3FFE];
	_ =	sdelay $0x1  }
0x8a: {  	s1 =	srdreg.scid  }
0x8b: {  	s0 =	sand.u32 $0x1, s1  }
0x8c: {  	s18 =	sshll.u32 s0, $0xA;
	s2 =	sadd.s32 s3, s2  }
0x8d: {  	s2 =	sadd.s32 s2, s18  }
0x8e: {  	[smem:$0x3FC6] =	sst s2  }
0x8f: {  	_ = 	snop  }
0x90: {  	s2 =	sld [smem:$0x3FC9]  }
0x91: {  	s19 =	sld [smem:$0x3FC8]  }
0x92: {  	s4 =	sld [smem:$0x3FD0];
	(tm) =	ssettm $0x1  }
0x93: {  	s5 =	sld [smem:$0x3FFB];
	_ =	sdelay $0x3  }
0x94: {  	_ =	strace s5  }
0x95: {  	s5 =	sld [smem:$0x3FFC];
	_ =	sdelay $0x3  }
0x96: {  	_ =	strace s5  }
0x97: {  	s5 =	sld [smem:$0x3FFD];
	_ =	sdelay $0x3  }
0x98: {  	_ =	strace s5  }
0x99: {  	_ =	strace $0x8FFFFFFF  }
0x9a: {  	s20 =	sld [smem:$0x3FDB];
	_ =	sdelay $0x1  }
0x9b: {  	s6 =	simm.s32 $_scs_section_size  }
0x9c: {  	s7 =	simm.s32 $_size__tile_overlayer_lowered;
	s8 =	simm.s32 $_tile_overlayer_lowered  }
0x9d: {  	s23 =	simm.s32 $0x1BFF;
	s22 =	sshll.u32 s8, $0x1;
	s5 =	sadd.s32 s6, s20  }
0x9e: {  	s9 =	simm.s32 $0x0;
	s21 =	sshll.u32 s7, $0x1;
	s7 =	sadd.s32 s22, s5  }
0x9f: {  	[timem:s9], [sflag:s23] =	dma.local [hbm:s7], s21  }
0xa0: {  	_ =	swait.ge [sflag:s23], s21  }
0xa1: {  	s6 =	ssub.s32 $0x0, s21;
	[sflag:s23] =	ssyncset.done $0x0  }
0xa2: {  	[sflag:s23] =	ssyncadd.s32 s6;
	_ =	sdelay $0x1  }
0xa3: {  	s24 =	simm.s32 $0x1B8B  }
0xa4: {  	_ =	swait.ge [sflag:s24], $0x1  }
0xa5: {  	[sflag:s24] =	ssyncset.done $0x0  }
0xa6: {  	s25 =	simm.s32 $0x1B8E;
	[sflag:s24] =	ssyncadd.s32 $0xFFFFFFFF  }
0xa7: {  	s26 =	simm.s32 $execute0_lowered;
	[smem:$0x3FD2] =	sst s25  }
0xa8: {  	s6 =	sshll.u32 s26, $0x1;
	_ =	strace $0x80000046;
	[dreg:$0x1] =	wrdreg $0xFFFFFFFF  }
0xa9: {  	s28 =	simm.s32 $_size_execute0_lowered;
	s5 =	sadd.s32 s5, s6;
	[dreg:$0x0] =	wrdreg $0x0  }
0xaa: {  	s6 =	sshll.u32 s28, $0x1;
	[dreg:$0x2] =	wrdreg s5  }
0xab: {  	[dreg:$0x3] =	wrdreg s6  }
0xac: {  	[dreg:$0x4] =	wrdreg $0xC0  }
0xad: {  	_ =	task [dreg:s9], $0x5FFFF  }
0xae: {  	[dreg:$0x1] =	wrdreg $0xFFFFFFFF  }
0xaf: {  	[dreg:$0x0] =	wrdreg $0x60  }
0xb0: {  	[dreg:$0x2] =	wrdreg s19  }
0xb1: {  	[dreg:$0x3] =	wrdreg s2  }
0xb2: {  	[dreg:$0x4] =	wrdreg s4  }
0xb3: {  	[dreg:$0x5] =	wrdreg $0x1E7000  }
0xb4: {  	[dreg:$0x6] =	wrdreg $0x9  }
0xb5: {  	_ =	task.clear_ibuf [dreg:s9], $0x7FFFF;
	_ =	strace $0x90000046  }
0xb6: {  	s29 =	simm.s32 $0x9;
	_ =	strace $0x80000048  }
0xb7: {  	_ =	swait.ge [sflag:s29], $0x1  }
0xb8: {  	[sflag:s29] =	ssyncadd.s32 $0xFFFFFFFF  }
0xb9: {  	_ =	strace $0x90000048  }
0xba: {  	_ =	sfence  }
0xbb: {  	s30 =	sld [smem:$0x0];
	_ =	sdelay $0x2  }
0xbc: {  	s31 =	sshll.u32 s1, $0xD;
	s1 =	sshrl.u32 s1, $0x2  }
0xbd: {  	s3 =	sand.u32 $0x4000, s31;
	s1 =	sadd.s32 s1, s30  }
0xbe: {  	s0 =	sor.u32 s3, s0;
	s1 =	sshll.u32 s1, $0x11  }
0xbf: {  	s0 =	sor.u32 s1, s0  }
0xc0: {  	s0 =	sadd.s32 $0x8F2B, s0  }
0xc1: {  	[sflag:s0] =	ssyncadd.remote.s32 $0x1  }
0xc2: {  	_ =	sfence.sel $0xFFFF  }
0xc3: {  	[dreg:$0x0] =	wrdreg $0xFFFFFFFF;
	(pc) =	sbr.abs _section_cstart, $3  }
0xc4: {  	[dreg:$0x1] =	wrdreg $0xFFFFFFFF  }
0xc5: {  	_ =	task.clear_ibuf [dreg:s9], $0x2FFFF;
	_ =	strace $0x9FFFFFFF  }
0xc6: {  	(tm) =	ssettm $0x7FFFFFFF  }
0xc7: {  	_ =	shalt  }
tec
execute0_lowered:
.L_overlay_start_1:
0x0: {  	(tag) =	ssettag $0x1  }
0x1: {  	s1 =	rddreg [dreg:$0x0]  }
0x2: {  	s2 =	rddreg [dreg:$0x1]  }
0x3: {  	s3 =	rddreg [dreg:$0x2]  }
0x4: {  	s4 =	rddreg [dreg:$0x3]  }
0x5: {  	s5 =	simm.s32 $0x0;
	s0 =	srdreg.scid;
	s6 =	stileid.u32  }
0x6: {  	s15 =	simm.s32 $0x80;
	s16 =	simm.s32 $0x400;
	s18 =	simm.s32 $0x1  }
0x7: {  	s19 =	simm.s32 $0x20;
	s20 =	simm.s32 $0x100;
	s21 =	simm.s32 $0x18700  }
0x8: {  	s22 =	simm.s32 $0x4;
	s23 =	simm.s32 $0x2;
	s24 =	simm.s32 $0x3  }
0x9: {  	s25 =	simm.s32 $0x0;
	[smem:$0x7FF] =	sst s5;
	s0 =	sand.u32 $0x1, s0  }
0xa: {  	s9 =	sshrl.u32 s6, $0x2;
	s7 =	sshll.u32 s6, $0x8;
	p0 =	sne.s32 s6, $0x0  }
0xb: {  	s12 =	sadd.s32 $0x3000, s3;
	s31 =	sshll.u32 s6, $0x6;
	s8 =	ssub.s32 $0x2, s0  }
0xc: {  	s0 =	sshll.u32 s0, $0x7;
	s7 =	sand.u32 $0x300, s7;
	s10 =	smul.u32 $0xC3800, s9  }
0xd: {  	_ =	strace $0x80000047;
	s9 =	sshll.u32 s9, $0x11;
	s11 =	sshrl.u32 s8, $0x1  }
0xe: {  	s14 =	sshrl.u32 @!p0 s4, $0x3;
	s7 =	sor.u32 s0, s7;
	s30 =	ssub.s32 s8, s11  }
0xf: {  	s17 =	sor.u32 $0x1C01, s31;
	s8 =	sor.u32 s7, s10;
	s0 =	smax.u32 s30, $0x1  }
0x10: {  	s10 =	sadd.s32 $0x1000, s3;
	s11 =	sadd.s32 $0x2000, s3;
	[dreg:$0x5] =	wrdreg s0  }
.LBB2_1:
0x11: {  	s0 =	simm.s32 @!p0 $0x1  }
0x12: {  	s13 =	simm.s32 @!p0 $0x20;
	s26 =	simm.s32 @!p0 $0x80;
	s28 =	simm.s32 @!p0 $0x1C01  }
0x13: {  	[spmem:s14@s13], [sflag:s28] =	dma.strided @!p0 [hbm:s2@s26], $0x800, s0, $0x10   }
0x14: {  	s28 =	simm.s32 $0x0  }
.LBB2_3:
0x15: {  	s0 =	smul.u32 $0x30E000, s28;
	_ =	sdelay $0x1  }
0x16: {  	s0 =	sadd.s32 s8, s0  }
0x17: {  	s13 =	sand.u32 $0xF, s28;
	s0 =	sshrl.u32 s0, $0x3  }
0x18: {  	p1 =	sne.s32 s6, s13;
	s0 =	sadd.s32 s1, s0  }
0x19: {  	[tilespmem:s5], [sflag:$0x2] =	stream.strided.gather [hbm4b:s0+s15], $0x18700, s16, s15, $0x38;
	[tilespmem:$0x1EF00] =	vst v63  }
0x1a: {  	s26 =	sadd.s32 $0x1, s28;
	s0 =	simm.s32 @!p1 $0x1  }
0x1b: {  	p2 =	seq.s32 s28, $0x19;
	s13 =	sand.u32 $0xF, s26;
	_ =	swait.ge @!p1 [sflag:s0], $0x800  }
0x1c: {  	p3 =	seq.s32 @!p2 s6, s13;
	[sflag:s0] =	ssyncset.done @!p1 $0x0  }
0x1d: {  	[sflag:s0] =	ssyncadd.s32 @!p1 $0xFFFFF800;
	p1 =	por p2, !p3;
	s0 =	sshll.u32 s28, $0x7  }
0x1e: {  	s0 =	sand.u32 @p1 $0x80, s0  }
0x1f: {  	[bflag:$0x0] =	sbarrier.arrive $0xFFFF;
	s13 =	sshll.u32 @!p1 s26, $0x4;
	s0 =	sand.u32 @!p1 $0x80, s0  }
0x20: {  	s29 =	sshll.u32 @!p1 s26, $0xB;
	s13 =	sand.u32 @!p1 $0x70, s13;
	s30 =	sxor.u32 @!p1 $0x80, s0  }
0x21: {  	s29 =	sand.u32 @!p1 $0x1C000, s29;
	s13 =	sadd.s32 @!p1 s2, s13;
	s30 =	sadd.s32 @!p1 s30, s4  }
0x22: {  	s0 =	sadd.s32 s0, s4;
	s13 =	sadd.s32 @!p1 s29, s13;
	s29 =	sshrl.u32 @!p1 s30, $0x3  }
0x23: {  	[spmem:s29@s19], [sflag:s17] =	dma.strided @!p1 [hbm:s13@s15], $0x800, s18, $0x10   }
0x24: {  	[tilespmem:s21], [sflag:$0x4] =	stream.strided.gather [spmem:s0], $0x4000, s20, s15, $0x38;
	[tilespmem:$0x1EF00] =	vst v63  }
0x25: {  	_ =	swait.ge [sflag:s22], $0x4000  }
0x26: {  	[sflag:s22] =	ssyncset.done $0x0  }
0x27: {  	[sflag:s22] =	ssyncadd.s32 $0xFFFFC000  }
0x28: {  	_ =	swait.ge [sflag:s23], $0x18700  }
0x29: {  	p1 =	seq.s32 s28, $0x0;
	[sflag:s23] =	ssyncset.done $0x0  }
0x2a: {  	s0 =	simm.s32 @!p1 $0x3;
	[sflag:s23] =	ssyncadd.s32 $0xFFFE7900  }
0x2b: {  	_ =	swait.ge @!p1 [sflag:s0], $0x1000  }
0x2c: {  	[sflag:s0] =	ssyncset.done @!p1 $0x0  }
0x2d: {  	s13 =	simm.s32 $0x18780;
	[sflag:s0] =	ssyncadd.s32 @!p1 $0xFFFFF000  }
0x2e: {  	v0 =	vld [tilespmem:s13+$0x70]  }
0x2f: {  	v1 =	vld [tilespmem:s13+$0xFFFFFF90]  }
0x30: {  	v2 =	vld [tilespmem:s13+$0xFFFFFFA0]  }
0x31: {  	v3 =	vld [tilespmem:s13+$0xFFFFFFB0]  }
0x32: {  	v4 =	vld [tilespmem:s13+$0xFFFFFFC0]  }
0x33: {  	v5 =	vld [tilespmem:s13+$0xFFFFFFD0]  }
0x34: {  	v6 =	vld [tilespmem:s13+$0xFFFFFFE0]  }
0x35: {  	v7 =	vld [tilespmem:s13+$0xFFFFFFF0]  }
0x36: {  	v8 =	vld [tilespmem:s13+$0x0]  }
0x37: {  	v9 =	vld [tilespmem:s13+$0x10]  }
0x38: {  	v10 =	vld [tilespmem:s13+$0x20]  }
0x39: {  	v11 =	vld [tilespmem:s13+$0x30]  }
0x3a: {  	v12 =	vld [tilespmem:s13+$0x40]  }
0x3b: {  	v13 =	vld [tilespmem:s13+$0x50]  }
0x3c: {  	v14 =	vld [tilespmem:s13+$0x60]  }
0x3d: {  	v15 =	vld [tilespmem:s13+$0xFFFFFF80]  }
0x3e: {  	v0 =	vld.idx.msk [tilespmem:v0+s5+$0x0], $0xffff  }
0x3f: {  	v1 =	vld.idx.msk [tilespmem:v1+s5+$0x0], $0xffff  }
0x40: {  	v2 =	vld.idx.msk [tilespmem:v2+s5+$0x0], $0xffff  }
0x41: {  	v3 =	vld.idx.msk [tilespmem:v3+s5+$0x0], $0xffff  }
0x42: {  	v4 =	vld.idx.msk [tilespmem:v4+s5+$0x0], $0xffff  }
0x43: {  	s29 =	simm.s32 $0x1C800;
	v16 =	vld.idx.msk [tilespmem:v5+s5+$0x0], $0xffff  }
0x44: {  	v6 =	vld.idx.msk [tilespmem:v6+s5+$0x0], $0xffff;
	[tilespmem:s29+$0x70] =	vst v0  }
0x45: {  	v7 =	vld.idx.msk [tilespmem:v7+s5+$0x0], $0xffff;
	[tilespmem:s29+$0xFFFFFF10] =	vst v1  }
0x46: {  	v15 =	vld.idx.msk [tilespmem:v15+s5+$0x0], $0xffff;
	[tilespmem:s29+$0xFFFFFF20] =	vst v2  }
0x47: {  	v8 =	vld.idx.msk [tilespmem:v8+s5+$0x0], $0xffff;
	[tilespmem:s29+$0xFFFFFF30] =	vst v3  }
0x48: {  	v5 =	vld.idx.msk [tilespmem:v9+s5+$0x0], $0xffff;
	[tilespmem:s29+$0xFFFFFF40] =	vst v4  }
0x49: {  	[tilespmem:s29+$0xFFFFFF50] =	vst v16;
	v0 =	vld.idx.msk [tilespmem:v10+s5+$0x0], $0xffff  }
0x4a: {  	[tilespmem:s29+$0xFFFFFF60] =	vst v6;
	v1 =	vld.idx.msk [tilespmem:v11+s5+$0x0], $0xffff  }
0x4b: {  	[tilespmem:s29+$0xFFFFFF70] =	vst v7;
	v2 =	vld.idx.msk [tilespmem:v12+s5+$0x0], $0xffff  }
0x4c: {  	[tilespmem:s29+$0xFFFFFF00] =	vst v15;
	v3 =	vld.idx.msk [tilespmem:v13+s5+$0x0], $0xffff  }
0x4d: {  	s31 =	simm.s32 $0x18880;
	s30 =	simm.s32 $0x0;
	[tilespmem:s29+$0x0] =	vst v8;
	v4 =	vld.idx.msk [tilespmem:v14+s5+$0x0], $0xffff  }
.LBB2_4:
0x4e: {  	v6 =	vld [tilespmem:s31+$0x70];
	s30 =	sadd.s32 $0x10, s30;
	[tilespmem:s29+$0x10] =	vst v5  }
0x4f: {  	v5 =	vld [tilespmem:s31+$0xFFFFFF90];
	p2 =	slt.u32 s30, $0xF0;
	[tilespmem:s29+$0x20] =	vst v0  }
0x50: {  	v0 =	vld [tilespmem:s31+$0xFFFFFFA0];
	[tilespmem:s29+$0x30] =	vst v1  }
0x51: {  	v1 =	vld [tilespmem:s31+$0xFFFFFFB0];
	[tilespmem:s29+$0x40] =	vst v2  }
0x52: {  	v2 =	vld [tilespmem:s31+$0xFFFFFFC0];
	[tilespmem:s29+$0x50] =	vst v3  }
0x53: {  	v3 =	vld [tilespmem:s31+$0xFFFFFFD0];
	[tilespmem:s29+$0x60] =	vst v4  }
0x54: {  	v4 =	vld [tilespmem:s31+$0xFFFFFFE0]  }
0x55: {  	v7 =	vld [tilespmem:s31+$0xFFFFFFF0]  }
0x56: {  	v6 =	vld.idx.msk [tilespmem:v6+s5+$0x0], $0xffff  }
0x57: {  	v8 =	vld [tilespmem:s31+$0x0]  }
0x58: {  	v9 =	vld [tilespmem:s31+$0x10]  }
0x59: {  	v10 =	vld [tilespmem:s31+$0x20]  }
0x5a: {  	v11 =	vld [tilespmem:s31+$0x30]  }
0x5b: {  	s29 =	sadd.s32 $0x200, s29;
	v12 =	vld [tilespmem:s31+$0x40]  }
0x5c: {  	v13 =	vld [tilespmem:s31+$0x50];
	[tilespmem:s29+$0x70] =	vst v6  }
0x5d: {  	v6 =	vld [tilespmem:s31+$0x60]  }
0x5e: {  	v14 =	vld [tilespmem:s31+$0xFFFFFF80]  }
0x5f: {  	v5 =	vld.idx.msk [tilespmem:v5+s5+$0x0], $0xffff  }
0x60: {  	v0 =	vld.idx.msk [tilespmem:v0+s5+$0x0], $0xffff  }
0x61: {  	v1 =	vld.idx.msk [tilespmem:v1+s5+$0x0], $0xffff  }
0x62: {  	v2 =	vld.idx.msk [tilespmem:v2+s5+$0x0], $0xffff  }
0x63: {  	v3 =	vld.idx.msk [tilespmem:v3+s5+$0x0], $0xffff  }
0x64: {  	v4 =	vld.idx.msk [tilespmem:v4+s5+$0x0], $0xffff  }
0x65: {  	[tilespmem:s29+$0xFFFFFF10] =	vst v5;
	v7 =	vld.idx.msk [tilespmem:v7+s5+$0x0], $0xffff  }
0x66: {  	v14 =	vld.idx.msk [tilespmem:v14+s5+$0x0], $0xffff;
	[tilespmem:s29+$0xFFFFFF20] =	vst v0  }
0x67: {  	[tilespmem:s29+$0xFFFFFF30] =	vst v1;
	v8 =	vld.idx.msk [tilespmem:v8+s5+$0x0], $0xffff  }
0x68: {  	[tilespmem:s29+$0xFFFFFF40] =	vst v2;
	v5 =	vld.idx.msk [tilespmem:v9+s5+$0x0], $0xffff  }
.Ltmp0:
0x69: {  	[tilespmem:s29+$0xFFFFFF50] =	vst v3;
	v0 =	vld.idx.msk [tilespmem:v10+s5+$0x0], $0xffff;
	(pc) =	sbr.rel @p2 .LBB2_4-.Ltmp0, $4  }
0x6a: {  	[tilespmem:s29+$0xFFFFFF60] =	vst v4;
	v1 =	vld.idx.msk [tilespmem:v11+s5+$0x0], $0xffff  }
0x6b: {  	[tilespmem:s29+$0xFFFFFF70] =	vst v7;
	v2 =	vld.idx.msk [tilespmem:v12+s5+$0x0], $0xffff  }
0x6c: {  	[tilespmem:s29+$0xFFFFFF00] =	vst v14;
	v3 =	vld.idx.msk [tilespmem:v13+s5+$0x0], $0xffff  }
0x6d: {  	s31 =	sadd.s32 $0x100, s31;
	[tilespmem:s29+$0x0] =	vst v8;
	v4 =	vld.idx.msk [tilespmem:v6+s5+$0x0], $0xffff  }
0x6e: {  	[tilespmem:s29+$0x10] =	vst v5;
	s0 =	sshll.u32 s28, $0x13  }
0x6f: {  	[tilespmem:s29+$0x20] =	vst v0;
	s0 =	sor.u32 s0, s9  }
0x70: {  	[tilespmem:s29+$0x30] =	vst v1;
	s0 =	sor.u32 s7, s0  }
0x71: {  	[tilespmem:s29+$0x40] =	vst v2;
	s28 =	sshrl.u32 s0, $0x3  }
0x72: {  	s31 =	simm.s32 $0x1C700;
	[tilespmem:s29+$0x50] =	vst v3;
	s30 =	sadd.s32 s3, s28  }
0x73: {  	s0 =	simm.s32 $0x1C800;
	[tilespmem:s29+$0x60] =	vst v4;
	s29 =	simm.s32 $0x80;
	s13 =	sadd.s32 $0x0, s30  }
.LBB2_6:
0x74: {  	[hbm4b:s13+s5] =	stream.linear.scatter [tilespmem:s31], [sflag:$0x3], $0x80, $0x38;
	[tilespmem:$0x1EF00] =	vst v63  }
0x75: {  	s13 =	smov.u32 s29;
	s31 =	smov.u32 s0;
	p2 =	sne.s32 s29, $0xF80  }
.Ltmp1:
0x76: {  	s29 =	sadd.s32 $0x80, s29;
	(pc) =	sbr.rel @p2 .LBB2_6-.Ltmp1, $2  }
0x77: {  	_ =	sdelay $0x2  }
0x78: {  	s0 =	sadd.s32 $0x100, s0;
	s13 =	sadd.s32 s13, s30  }
0x79: {  	[hbm4b:s13+s5] =	stream.linear.scatter [tilespmem:s31], [sflag:$0x3], $0x80, $0x38;
	[tilespmem:$0x1EF00] =	vst v63  }
0x7a: {  	s0 =	simm.s32 @!p1 $0x3  }
0x7b: {  	_ =	swait.ge @!p1 [sflag:s0], $0x1000  }
0x7c: {  	[sflag:s0] =	ssyncset.done @!p1 $0x0  }
0x7d: {  	s13 =	simm.s32 $0x197F0;
	[sflag:s0] =	ssyncadd.s32 @!p1 $0xFFFFF000  }
0x7e: {  	v0 =	vld [tilespmem:s13+$0x0]  }
0x7f: {  	v1 =	vld [tilespmem:s13+$0xFFFFFF20]  }
0x80: {  	v2 =	vld [tilespmem:s13+$0xFFFFFF30]  }
0x81: {  	v3 =	vld [tilespmem:s13+$0xFFFFFF40]  }
0x82: {  	v4 =	vld [tilespmem:s13+$0xFFFFFF50]  }
0x83: {  	v5 =	vld [tilespmem:s13+$0xFFFFFF60]  }
0x84: {  	v6 =	vld [tilespmem:s13+$0xFFFFFF70]  }
0x85: {  	v7 =	vld [tilespmem:s13+$0xFFFFFF80]  }
0x86: {  	v8 =	vld [tilespmem:s13+$0xFFFFFF90]  }
0x87: {  	v9 =	vld [tilespmem:s13+$0xFFFFFFA0]  }
0x88: {  	v10 =	vld [tilespmem:s13+$0xFFFFFFB0]  }
0x89: {  	v11 =	vld [tilespmem:s13+$0xFFFFFFC0]  }
0x8a: {  	v12 =	vld [tilespmem:s13+$0xFFFFFFD0]  }
0x8b: {  	v13 =	vld [tilespmem:s13+$0xFFFFFFE0]  }
0x8c: {  	v14 =	vld [tilespmem:s13+$0xFFFFFFF0]  }
0x8d: {  	v15 =	vld [tilespmem:s13+$0xFFFFFF10]  }
0x8e: {  	v0 =	vld.idx.msk [tilespmem:v0+s5+$0x0], $0xffff  }
0x8f: {  	v1 =	vld.idx.msk [tilespmem:v1+s5+$0x0], $0xffff  }
0x90: {  	v2 =	vld.idx.msk [tilespmem:v2+s5+$0x0], $0xffff  }
0x91: {  	v3 =	vld.idx.msk [tilespmem:v3+s5+$0x0], $0xffff  }
0x92: {  	v4 =	vld.idx.msk [tilespmem:v4+s5+$0x0], $0xffff  }
0x93: {  	s29 =	simm.s32 $0x1C880;
	v5 =	vld.idx.msk [tilespmem:v5+s5+$0x0], $0xffff  }
0x94: {  	v6 =	vld.idx.msk [tilespmem:v6+s5+$0x0], $0xffff;
	[tilespmem:s29+$0x70] =	vst v0  }
0x95: {  	v7 =	vld.idx.msk [tilespmem:v7+s5+$0x0], $0xffff;
	[tilespmem:s29+$0xFFFFFF10] =	vst v1  }
0x96: {  	v15 =	vld.idx.msk [tilespmem:v15+s5+$0x0], $0xffff;
	[tilespmem:s29+$0xFFFFFF20] =	vst v2  }
0x97: {  	v8 =	vld.idx.msk [tilespmem:v8+s5+$0x0], $0xffff;
	[tilespmem:s29+$0xFFFFFF30] =	vst v3  }
0x98: {  	[tilespmem:s29+$0xFFFFFF40] =	vst v4;
	v0 =	vld.idx.msk [tilespmem:v9+s5+$0x0], $0xffff  }
0x99: {  	[tilespmem:s29+$0xFFFFFF50] =	vst v5;
	v1 =	vld.idx.msk [tilespmem:v10+s5+$0x0], $0xffff  }
0x9a: {  	[tilespmem:s29+$0xFFFFFF60] =	vst v6;
	v2 =	vld.idx.msk [tilespmem:v11+s5+$0x0], $0xffff  }
0x9b: {  	[tilespmem:s29+$0xFFFFFF70] =	vst v7;
	v3 =	vld.idx.msk [tilespmem:v12+s5+$0x0], $0xffff  }
0x9c: {  	[tilespmem:s29+$0xFFFFFF00] =	vst v15;
	v4 =	vld.idx.msk [tilespmem:v13+s5+$0x0], $0xffff  }
0x9d: {  	s30 =	simm.s32 $0x0;
	s31 =	simm.s32 $0x198F0;
	[tilespmem:s29+$0x0] =	vst v8;
	v5 =	vld.idx.msk [tilespmem:v14+s5+$0x0], $0xffff  }
.LBB2_8:
0x9e: {  	v6 =	vld [tilespmem:s31+$0x0];
	s30 =	sadd.s32 $0x10, s30;
	[tilespmem:s29+$0x10] =	vst v0  }
0x9f: {  	v0 =	vld [tilespmem:s31+$0xFFFFFF20];
	p1 =	slt.u32 s30, $0xF0;
	[tilespmem:s29+$0x20] =	vst v1  }
0xa0: {  	v1 =	vld [tilespmem:s31+$0xFFFFFF30];
	[tilespmem:s29+$0x30] =	vst v2  }
0xa1: {  	v2 =	vld [tilespmem:s31+$0xFFFFFF40];
	[tilespmem:s29+$0x40] =	vst v3  }
0xa2: {  	v3 =	vld [tilespmem:s31+$0xFFFFFF50];
	[tilespmem:s29+$0x50] =	vst v4  }
0xa3: {  	v4 =	vld [tilespmem:s31+$0xFFFFFF60];
	[tilespmem:s29+$0x60] =	vst v5  }
0xa4: {  	v5 =	vld [tilespmem:s31+$0xFFFFFF70]  }
0xa5: {  	v7 =	vld [tilespmem:s31+$0xFFFFFF80]  }
0xa6: {  	v6 =	vld.idx.msk [tilespmem:v6+s5+$0x0], $0xffff  }
0xa7: {  	v8 =	vld [tilespmem:s31+$0xFFFFFF90]  }
0xa8: {  	v9 =	vld [tilespmem:s31+$0xFFFFFFA0]  }
0xa9: {  	v10 =	vld [tilespmem:s31+$0xFFFFFFB0]  }
0xaa: {  	v11 =	vld [tilespmem:s31+$0xFFFFFFC0]  }
0xab: {  	s29 =	sadd.s32 $0x200, s29;
	v12 =	vld [tilespmem:s31+$0xFFFFFFD0]  }
0xac: {  	v13 =	vld [tilespmem:s31+$0xFFFFFFE0];
	[tilespmem:s29+$0x70] =	vst v6  }
0xad: {  	v6 =	vld [tilespmem:s31+$0xFFFFFFF0]  }
0xae: {  	v14 =	vld [tilespmem:s31+$0xFFFFFF10]  }
0xaf: {  	v0 =	vld.idx.msk [tilespmem:v0+s5+$0x0], $0xffff  }
0xb0: {  	v1 =	vld.idx.msk [tilespmem:v1+s5+$0x0], $0xffff  }
0xb1: {  	v2 =	vld.idx.msk [tilespmem:v2+s5+$0x0], $0xffff  }
0xb2: {  	v3 =	vld.idx.msk [tilespmem:v3+s5+$0x0], $0xffff  }
0xb3: {  	v4 =	vld.idx.msk [tilespmem:v4+s5+$0x0], $0xffff  }
0xb4: {  	v5 =	vld.idx.msk [tilespmem:v5+s5+$0x0], $0xffff  }
0xb5: {  	[tilespmem:s29+$0xFFFFFF10] =	vst v0;
	v7 =	vld.idx.msk [tilespmem:v7+s5+$0x0], $0xffff  }
0xb6: {  	v14 =	vld.idx.msk [tilespmem:v14+s5+$0x0], $0xffff;
	[tilespmem:s29+$0xFFFFFF20] =	vst v1  }
0xb7: {  	[tilespmem:s29+$0xFFFFFF30] =	vst v2;
	v8 =	vld.idx.msk [tilespmem:v8+s5+$0x0], $0xffff  }
0xb8: {  	[tilespmem:s29+$0xFFFFFF40] =	vst v3;
	v0 =	vld.idx.msk [tilespmem:v9+s5+$0x0], $0xffff  }
.Ltmp2:
0xb9: {  	[tilespmem:s29+$0xFFFFFF50] =	vst v4;
	v1 =	vld.idx.msk [tilespmem:v10+s5+$0x0], $0xffff;
	(pc) =	sbr.rel @p1 .LBB2_8-.Ltmp2, $4  }
0xba: {  	[tilespmem:s29+$0xFFFFFF60] =	vst v5;
	v2 =	vld.idx.msk [tilespmem:v11+s5+$0x0], $0xffff  }
0xbb: {  	[tilespmem:s29+$0xFFFFFF70] =	vst v7;
	v3 =	vld.idx.msk [tilespmem:v12+s5+$0x0], $0xffff  }
0xbc: {  	[tilespmem:s29+$0xFFFFFF00] =	vst v14;
	v4 =	vld.idx.msk [tilespmem:v13+s5+$0x0], $0xffff  }
0xbd: {  	s31 =	sadd.s32 $0x100, s31;
	[tilespmem:s29+$0x0] =	vst v8;
	v5 =	vld.idx.msk [tilespmem:v6+s5+$0x0], $0xffff  }
0xbe: {  	[tilespmem:s29+$0x10] =	vst v0  }
0xbf: {  	[tilespmem:s29+$0x20] =	vst v1  }
0xc0: {  	[tilespmem:s29+$0x30] =	vst v2  }
0xc1: {  	[tilespmem:s29+$0x40] =	vst v3  }
0xc2: {  	s30 =	sadd.s32 s28, s10;
	s31 =	simm.s32 $0x1C780;
	[tilespmem:s29+$0x50] =	vst v4  }
0xc3: {  	s0 =	simm.s32 $0x1C880;
	s13 =	sadd.s32 $0x0, s30;
	[tilespmem:s29+$0x60] =	vst v5;
	s29 =	simm.s32 $0x80  }
.LBB2_10:
0xc4: {  	[hbm4b:s13+s5] =	stream.linear.scatter [tilespmem:s31], [sflag:$0x3], $0x80, $0x38;
	[tilespmem:$0x1EF00] =	vst v63  }
0xc5: {  	s13 =	smov.u32 s29;
	s31 =	smov.u32 s0;
	p1 =	sne.s32 s29, $0xF80  }
.Ltmp3:
0xc6: {  	s29 =	sadd.s32 $0x80, s29;
	(pc) =	sbr.rel @p1 .LBB2_10-.Ltmp3, $2  }
0xc7: {  	_ =	sdelay $0x2  }
0xc8: {  	s0 =	sadd.s32 $0x100, s0;
	s13 =	sadd.s32 s13, s30  }
0xc9: {  	[hbm4b:s13+s5] =	stream.linear.scatter [tilespmem:s31], [sflag:$0x3], $0x80, $0x38;
	[tilespmem:$0x1EF00] =	vst v63  }
0xca: {  	_ =	swait.ge [sflag:s24], $0x1000  }
0xcb: {  	[sflag:s24] =	ssyncset.done $0x0  }
0xcc: {  	s0 =	simm.s32 $0x1A7F0;
	[sflag:s24] =	ssyncadd.s32 $0xFFFFF000  }
0xcd: {  	v0 =	vld [tilespmem:s0+$0x0]  }
0xce: {  	v1 =	vld [tilespmem:s0+$0xFFFFFF20]  }
0xcf: {  	v2 =	vld [tilespmem:s0+$0xFFFFFF30]  }
0xd0: {  	v3 =	vld [tilespmem:s0+$0xFFFFFF40]  }
0xd1: {  	v4 =	vld [tilespmem:s0+$0xFFFFFF50]  }
0xd2: {  	v5 =	vld [tilespmem:s0+$0xFFFFFF60]  }
0xd3: {  	v6 =	vld [tilespmem:s0+$0xFFFFFF70]  }
0xd4: {  	v7 =	vld [tilespmem:s0+$0xFFFFFF80]  }
0xd5: {  	v8 =	vld [tilespmem:s0+$0xFFFFFF90]  }
0xd6: {  	v9 =	vld [tilespmem:s0+$0xFFFFFFA0]  }
0xd7: {  	v10 =	vld [tilespmem:s0+$0xFFFFFFB0]  }
0xd8: {  	v11 =	vld [tilespmem:s0+$0xFFFFFFC0]  }
0xd9: {  	v12 =	vld [tilespmem:s0+$0xFFFFFFD0]  }
0xda: {  	v13 =	vld [tilespmem:s0+$0xFFFFFFE0]  }
0xdb: {  	v14 =	vld [tilespmem:s0+$0xFFFFFFF0]  }
0xdc: {  	v15 =	vld [tilespmem:s0+$0xFFFFFF10]  }
0xdd: {  	v0 =	vld.idx.msk [tilespmem:v0+s5+$0x0], $0xffff  }
0xde: {  	v1 =	vld.idx.msk [tilespmem:v1+s5+$0x0], $0xffff  }
0xdf: {  	v2 =	vld.idx.msk [tilespmem:v2+s5+$0x0], $0xffff  }
0xe0: {  	v3 =	vld.idx.msk [tilespmem:v3+s5+$0x0], $0xffff  }
0xe1: {  	v4 =	vld.idx.msk [tilespmem:v4+s5+$0x0], $0xffff  }
0xe2: {  	s29 =	simm.s32 $0x1C800;
	v5 =	vld.idx.msk [tilespmem:v5+s5+$0x0], $0xffff  }
0xe3: {  	v6 =	vld.idx.msk [tilespmem:v6+s5+$0x0], $0xffff;
	[tilespmem:s29+$0x70] =	vst v0  }
0xe4: {  	v7 =	vld.idx.msk [tilespmem:v7+s5+$0x0], $0xffff;
	[tilespmem:s29+$0xFFFFFF10] =	vst v1  }
0xe5: {  	v15 =	vld.idx.msk [tilespmem:v15+s5+$0x0], $0xffff;
	[tilespmem:s29+$0xFFFFFF20] =	vst v2  }
0xe6: {  	v8 =	vld.idx.msk [tilespmem:v8+s5+$0x0], $0xffff;
	[tilespmem:s29+$0xFFFFFF30] =	vst v3  }
0xe7: {  	[tilespmem:s29+$0xFFFFFF40] =	vst v4;
	v0 =	vld.idx.msk [tilespmem:v9+s5+$0x0], $0xffff  }
0xe8: {  	[tilespmem:s29+$0xFFFFFF50] =	vst v5;
	v1 =	vld.idx.msk [tilespmem:v10+s5+$0x0], $0xffff  }
0xe9: {  	[tilespmem:s29+$0xFFFFFF60] =	vst v6;
	v2 =	vld.idx.msk [tilespmem:v11+s5+$0x0], $0xffff  }
0xea: {  	[tilespmem:s29+$0xFFFFFF70] =	vst v7;
	v3 =	vld.idx.msk [tilespmem:v12+s5+$0x0], $0xffff  }
0xeb: {  	[tilespmem:s29+$0xFFFFFF00] =	vst v15;
	v4 =	vld.idx.msk [tilespmem:v13+s5+$0x0], $0xffff  }
0xec: {  	s30 =	simm.s32 $0x0;
	s31 =	simm.s32 $0x1A8F0;
	[tilespmem:s29+$0x0] =	vst v8;
	v5 =	vld.idx.msk [tilespmem:v14+s5+$0x0], $0xffff  }
.LBB2_12:
0xed: {  	v6 =	vld [tilespmem:s31+$0x0];
	s30 =	sadd.s32 $0x10, s30;
	[tilespmem:s29+$0x10] =	vst v0  }
0xee: {  	v0 =	vld [tilespmem:s31+$0xFFFFFF20];
	p1 =	slt.u32 s30, $0xF0;
	[tilespmem:s29+$0x20] =	vst v1  }
0xef: {  	v1 =	vld [tilespmem:s31+$0xFFFFFF30];
	[tilespmem:s29+$0x30] =	vst v2  }
0xf0: {  	v2 =	vld [tilespmem:s31+$0xFFFFFF40];
	[tilespmem:s29+$0x40] =	vst v3  }
0xf1: {  	v3 =	vld [tilespmem:s31+$0xFFFFFF50];
	[tilespmem:s29+$0x50] =	vst v4  }
0xf2: {  	v4 =	vld [tilespmem:s31+$0xFFFFFF60];
	[tilespmem:s29+$0x60] =	vst v5  }
0xf3: {  	v5 =	vld [tilespmem:s31+$0xFFFFFF70]  }
0xf4: {  	v7 =	vld [tilespmem:s31+$0xFFFFFF80]  }
0xf5: {  	v6 =	vld.idx.msk [tilespmem:v6+s5+$0x0], $0xffff  }
0xf6: {  	v8 =	vld [tilespmem:s31+$0xFFFFFF90]  }
0xf7: {  	v9 =	vld [tilespmem:s31+$0xFFFFFFA0]  }
0xf8: {  	v10 =	vld [tilespmem:s31+$0xFFFFFFB0]  }
0xf9: {  	v11 =	vld [tilespmem:s31+$0xFFFFFFC0]  }
0xfa: {  	s29 =	sadd.s32 $0x200, s29;
	v12 =	vld [tilespmem:s31+$0xFFFFFFD0]  }
0xfb: {  	v13 =	vld [tilespmem:s31+$0xFFFFFFE0];
	[tilespmem:s29+$0x70] =	vst v6  }
0xfc: {  	v6 =	vld [tilespmem:s31+$0xFFFFFFF0]  }
0xfd: {  	v14 =	vld [tilespmem:s31+$0xFFFFFF10]  }
0xfe: {  	v0 =	vld.idx.msk [tilespmem:v0+s5+$0x0], $0xffff  }
0xff: {  	v1 =	vld.idx.msk [tilespmem:v1+s5+$0x0], $0xffff  }
0x100: {  	v2 =	vld.idx.msk [tilespmem:v2+s5+$0x0], $0xffff  }
0x101: {  	v3 =	vld.idx.msk [tilespmem:v3+s5+$0x0], $0xffff  }
0x102: {  	v4 =	vld.idx.msk [tilespmem:v4+s5+$0x0], $0xffff  }
0x103: {  	v5 =	vld.idx.msk [tilespmem:v5+s5+$0x0], $0xffff  }
0x104: {  	[tilespmem:s29+$0xFFFFFF10] =	vst v0;
	v7 =	vld.idx.msk [tilespmem:v7+s5+$0x0], $0xffff  }
0x105: {  	v14 =	vld.idx.msk [tilespmem:v14+s5+$0x0], $0xffff;
	[tilespmem:s29+$0xFFFFFF20] =	vst v1  }
0x106: {  	[tilespmem:s29+$0xFFFFFF30] =	vst v2;
	v8 =	vld.idx.msk [tilespmem:v8+s5+$0x0], $0xffff  }
0x107: {  	[tilespmem:s29+$0xFFFFFF40] =	vst v3;
	v0 =	vld.idx.msk [tilespmem:v9+s5+$0x0], $0xffff  }
.Ltmp4:
0x108: {  	[tilespmem:s29+$0xFFFFFF50] =	vst v4;
	v1 =	vld.idx.msk [tilespmem:v10+s5+$0x0], $0xffff;
	(pc) =	sbr.rel @p1 .LBB2_12-.Ltmp4, $4  }
0x109: {  	[tilespmem:s29+$0xFFFFFF60] =	vst v5;
	v2 =	vld.idx.msk [tilespmem:v11+s5+$0x0], $0xffff  }
0x10a: {  	[tilespmem:s29+$0xFFFFFF70] =	vst v7;
	v3 =	vld.idx.msk [tilespmem:v12+s5+$0x0], $0xffff  }
0x10b: {  	[tilespmem:s29+$0xFFFFFF00] =	vst v14;
	v4 =	vld.idx.msk [tilespmem:v13+s5+$0x0], $0xffff  }
0x10c: {  	s31 =	sadd.s32 $0x100, s31;
	[tilespmem:s29+$0x0] =	vst v8;
	v5 =	vld.idx.msk [tilespmem:v6+s5+$0x0], $0xffff  }
0x10d: {  	[tilespmem:s29+$0x10] =	vst v0  }
0x10e: {  	[tilespmem:s29+$0x20] =	vst v1  }
0x10f: {  	[tilespmem:s29+$0x30] =	vst v2  }
0x110: {  	[tilespmem:s29+$0x40] =	vst v3  }
0x111: {  	s30 =	sadd.s32 s28, s11;
	s31 =	simm.s32 $0x1C700;
	[tilespmem:s29+$0x50] =	vst v4  }
0x112: {  	s0 =	simm.s32 $0x1C800;
	s13 =	sadd.s32 $0x0, s30;
	[tilespmem:s29+$0x60] =	vst v5;
	s29 =	simm.s32 $0x80  }
.LBB2_14:
0x113: {  	[hbm4b:s13+s5] =	stream.linear.scatter [tilespmem:s31], [sflag:$0x3], $0x80, $0x38;
	[tilespmem:$0x1EF00] =	vst v63  }
0x114: {  	s13 =	smov.u32 s29;
	s31 =	smov.u32 s0;
	p1 =	sne.s32 s29, $0xF80  }
.Ltmp5:
0x115: {  	s29 =	sadd.s32 $0x80, s29;
	(pc) =	sbr.rel @p1 .LBB2_14-.Ltmp5, $2  }
0x116: {  	_ =	sdelay $0x2  }
0x117: {  	s0 =	sadd.s32 $0x100, s0;
	s13 =	sadd.s32 s13, s30  }
0x118: {  	[hbm4b:s13+s5] =	stream.linear.scatter [tilespmem:s31], [sflag:$0x3], $0x80, $0x38;
	[tilespmem:$0x1EF00] =	vst v63  }
0x119: {  	_ =	swait.ge [sflag:s24], $0x1000  }
0x11a: {  	[sflag:s24] =	ssyncset.done $0x0  }
0x11b: {  	s0 =	simm.s32 $0x1B7F0;
	[sflag:s24] =	ssyncadd.s32 $0xFFFFF000  }
0x11c: {  	v0 =	vld [tilespmem:s0+$0x0]  }
0x11d: {  	v1 =	vld [tilespmem:s0+$0xFFFFFF20]  }
0x11e: {  	v2 =	vld [tilespmem:s0+$0xFFFFFF30]  }
0x11f: {  	v3 =	vld [tilespmem:s0+$0xFFFFFF40]  }
0x120: {  	v4 =	vld [tilespmem:s0+$0xFFFFFF50]  }
0x121: {  	v5 =	vld [tilespmem:s0+$0xFFFFFF60]  }
0x122: {  	v6 =	vld [tilespmem:s0+$0xFFFFFF70]  }
0x123: {  	v7 =	vld [tilespmem:s0+$0xFFFFFF80]  }
0x124: {  	v8 =	vld [tilespmem:s0+$0xFFFFFF90]  }
0x125: {  	v9 =	vld [tilespmem:s0+$0xFFFFFFA0]  }
0x126: {  	v10 =	vld [tilespmem:s0+$0xFFFFFFB0]  }
0x127: {  	v11 =	vld [tilespmem:s0+$0xFFFFFFC0]  }
0x128: {  	v12 =	vld [tilespmem:s0+$0xFFFFFFD0]  }
0x129: {  	v13 =	vld [tilespmem:s0+$0xFFFFFFE0]  }
0x12a: {  	v14 =	vld [tilespmem:s0+$0xFFFFFFF0]  }
0x12b: {  	v15 =	vld [tilespmem:s0+$0xFFFFFF10]  }
0x12c: {  	v0 =	vld.idx.msk [tilespmem:v0+s5+$0x0], $0xffff  }
0x12d: {  	v1 =	vld.idx.msk [tilespmem:v1+s5+$0x0], $0xffff  }
0x12e: {  	v2 =	vld.idx.msk [tilespmem:v2+s5+$0x0], $0xffff  }
0x12f: {  	v3 =	vld.idx.msk [tilespmem:v3+s5+$0x0], $0xffff  }
0x130: {  	v4 =	vld.idx.msk [tilespmem:v4+s5+$0x0], $0xffff  }
0x131: {  	s29 =	simm.s32 $0x1C880;
	v5 =	vld.idx.msk [tilespmem:v5+s5+$0x0], $0xffff  }
0x132: {  	v6 =	vld.idx.msk [tilespmem:v6+s5+$0x0], $0xffff;
	[tilespmem:s29+$0x70] =	vst v0  }
0x133: {  	v7 =	vld.idx.msk [tilespmem:v7+s5+$0x0], $0xffff;
	[tilespmem:s29+$0xFFFFFF10] =	vst v1  }
0x134: {  	v15 =	vld.idx.msk [tilespmem:v15+s5+$0x0], $0xffff;
	[tilespmem:s29+$0xFFFFFF20] =	vst v2  }
0x135: {  	v8 =	vld.idx.msk [tilespmem:v8+s5+$0x0], $0xffff;
	[tilespmem:s29+$0xFFFFFF30] =	vst v3  }
0x136: {  	[tilespmem:s29+$0xFFFFFF40] =	vst v4;
	v0 =	vld.idx.msk [tilespmem:v9+s5+$0x0], $0xffff  }
0x137: {  	[tilespmem:s29+$0xFFFFFF50] =	vst v5;
	v1 =	vld.idx.msk [tilespmem:v10+s5+$0x0], $0xffff  }
0x138: {  	[tilespmem:s29+$0xFFFFFF60] =	vst v6;
	v2 =	vld.idx.msk [tilespmem:v11+s5+$0x0], $0xffff  }
0x139: {  	[tilespmem:s29+$0xFFFFFF70] =	vst v7;
	v3 =	vld.idx.msk [tilespmem:v12+s5+$0x0], $0xffff  }
0x13a: {  	[tilespmem:s29+$0xFFFFFF00] =	vst v15;
	v4 =	vld.idx.msk [tilespmem:v13+s5+$0x0], $0xffff  }
0x13b: {  	s30 =	simm.s32 $0x0;
	s31 =	simm.s32 $0x1B8F0;
	[tilespmem:s29+$0x0] =	vst v8;
	v5 =	vld.idx.msk [tilespmem:v14+s5+$0x0], $0xffff  }
.LBB2_16:
0x13c: {  	v6 =	vld [tilespmem:s31+$0x0];
	s30 =	sadd.s32 $0x10, s30;
	[tilespmem:s29+$0x10] =	vst v0  }
0x13d: {  	v0 =	vld [tilespmem:s31+$0xFFFFFF20];
	p1 =	slt.u32 s30, $0xF0;
	[tilespmem:s29+$0x20] =	vst v1  }
0x13e: {  	v1 =	vld [tilespmem:s31+$0xFFFFFF30];
	[tilespmem:s29+$0x30] =	vst v2  }
0x13f: {  	v2 =	vld [tilespmem:s31+$0xFFFFFF40];
	[tilespmem:s29+$0x40] =	vst v3  }
0x140: {  	v3 =	vld [tilespmem:s31+$0xFFFFFF50];
	[tilespmem:s29+$0x50] =	vst v4  }
0x141: {  	v4 =	vld [tilespmem:s31+$0xFFFFFF60];
	[tilespmem:s29+$0x60] =	vst v5  }
0x142: {  	v5 =	vld [tilespmem:s31+$0xFFFFFF70]  }
0x143: {  	v7 =	vld [tilespmem:s31+$0xFFFFFF80]  }
0x144: {  	v6 =	vld.idx.msk [tilespmem:v6+s5+$0x0], $0xffff  }
0x145: {  	v8 =	vld [tilespmem:s31+$0xFFFFFF90]  }
0x146: {  	v9 =	vld [tilespmem:s31+$0xFFFFFFA0]  }
0x147: {  	v10 =	vld [tilespmem:s31+$0xFFFFFFB0]  }
0x148: {  	v11 =	vld [tilespmem:s31+$0xFFFFFFC0]  }
0x149: {  	s29 =	sadd.s32 $0x200, s29;
	v12 =	vld [tilespmem:s31+$0xFFFFFFD0]  }
0x14a: {  	v13 =	vld [tilespmem:s31+$0xFFFFFFE0];
	[tilespmem:s29+$0x70] =	vst v6  }
0x14b: {  	v6 =	vld [tilespmem:s31+$0xFFFFFFF0]  }
0x14c: {  	v14 =	vld [tilespmem:s31+$0xFFFFFF10]  }
0x14d: {  	v0 =	vld.idx.msk [tilespmem:v0+s5+$0x0], $0xffff  }
0x14e: {  	v1 =	vld.idx.msk [tilespmem:v1+s5+$0x0], $0xffff  }
0x14f: {  	v2 =	vld.idx.msk [tilespmem:v2+s5+$0x0], $0xffff  }
0x150: {  	v3 =	vld.idx.msk [tilespmem:v3+s5+$0x0], $0xffff  }
0x151: {  	v4 =	vld.idx.msk [tilespmem:v4+s5+$0x0], $0xffff  }
0x152: {  	v5 =	vld.idx.msk [tilespmem:v5+s5+$0x0], $0xffff  }
0x153: {  	[tilespmem:s29+$0xFFFFFF10] =	vst v0;
	v7 =	vld.idx.msk [tilespmem:v7+s5+$0x0], $0xffff  }
0x154: {  	v14 =	vld.idx.msk [tilespmem:v14+s5+$0x0], $0xffff;
	[tilespmem:s29+$0xFFFFFF20] =	vst v1  }
0x155: {  	[tilespmem:s29+$0xFFFFFF30] =	vst v2;
	v8 =	vld.idx.msk [tilespmem:v8+s5+$0x0], $0xffff  }
0x156: {  	[tilespmem:s29+$0xFFFFFF40] =	vst v3;
	v0 =	vld.idx.msk [tilespmem:v9+s5+$0x0], $0xffff  }
.Ltmp6:
0x157: {  	[tilespmem:s29+$0xFFFFFF50] =	vst v4;
	v1 =	vld.idx.msk [tilespmem:v10+s5+$0x0], $0xffff;
	(pc) =	sbr.rel @p1 .LBB2_16-.Ltmp6, $4  }
0x158: {  	[tilespmem:s29+$0xFFFFFF60] =	vst v5;
	v2 =	vld.idx.msk [tilespmem:v11+s5+$0x0], $0xffff  }
0x159: {  	[tilespmem:s29+$0xFFFFFF70] =	vst v7;
	v3 =	vld.idx.msk [tilespmem:v12+s5+$0x0], $0xffff  }
0x15a: {  	[tilespmem:s29+$0xFFFFFF00] =	vst v14;
	v4 =	vld.idx.msk [tilespmem:v13+s5+$0x0], $0xffff  }
0x15b: {  	s31 =	sadd.s32 $0x100, s31;
	[tilespmem:s29+$0x0] =	vst v8;
	v5 =	vld.idx.msk [tilespmem:v6+s5+$0x0], $0xffff  }
0x15c: {  	[tilespmem:s29+$0x10] =	vst v0  }
0x15d: {  	[tilespmem:s29+$0x20] =	vst v1  }
0x15e: {  	[tilespmem:s29+$0x30] =	vst v2  }
0x15f: {  	[tilespmem:s29+$0x40] =	vst v3  }
0x160: {  	s28 =	sadd.s32 s28, s12;
	s30 =	simm.s32 $0x1C780;
	[tilespmem:s29+$0x50] =	vst v4  }
0x161: {  	s0 =	simm.s32 $0x1C880;
	s13 =	sadd.s32 $0x0, s28;
	[tilespmem:s29+$0x60] =	vst v5;
	s29 =	simm.s32 $0x80  }
.LBB2_18:
0x162: {  	[hbm4b:s13+s5] =	stream.linear.scatter [tilespmem:s30], [sflag:$0x3], $0x80, $0x38;
	[tilespmem:$0x1EF00] =	vst v63  }
0x163: {  	s13 =	smov.u32 s29;
	s30 =	smov.u32 s0;
	p1 =	seq.s32 s29, $0xF80  }
.Ltmp7:
0x164: {  	s29 =	sadd.s32 $0x80, s29;
	(pc) =	sbr.rel @!p1 .LBB2_18-.Ltmp7, $2  }
0x165: {  	_ =	sdelay $0x2  }
0x166: {  	s0 =	sadd.s32 $0x100, s0;
	s13 =	sadd.s32 s13, s28  }
0x167: {  	[hbm4b:s13+s5] =	stream.linear.scatter [tilespmem:s30], [sflag:$0x3], $0x80, $0x38;
	[tilespmem:$0x1EF00] =	vst v63  }
0x168: {  	p1 =	seq.s32 s26, $0x1A  }
.Ltmp8:
0x169: {  	_ = 	snop;
	(pc) =	sbr.rel @!p1 .LBB2_3-.Ltmp8, $2  }
0x16a: {  	_ =	sdelay $0x2  }
0x16b: {  	s28 =	smov.u32 s26  }
0x16c: {  	_ =	swait.ge [sflag:s24], $0x1000  }
0x16d: {  	[sflag:s24] =	ssyncset.done $0x0  }
0x16e: {  	[sflag:s24] =	ssyncadd.s32 $0xFFFFF000  }
0x16f: {  	_ =	swait.ge [sflag:s24], $0x1000  }
0x170: {  	s25 =	sadd.s32 $0x1, s25;
	s0 =	rddreg [dreg:$0x5]  }
0x171: {  	p1 =	sne.s32 s25, s0  }
.Ltmp9:
0x172: {  	_ = 	snop;
	(pc) =	sbr.rel @p1 .LBB2_1-.Ltmp9, $3  }
0x173: {  	_ =	sdelay $0x1  }
0x174: {  	[sflag:s24] =	ssyncset.done $0x0  }
0x175: {  	[sflag:s24] =	ssyncadd.s32 $0xFFFFF000  }
0x176: {  	_ =	sfence.sel $0x180000  }
0x177: {  	[bflag:$0x0] =	sbarrier.arrive $0xFFFF  }
0x178: {  	_ =	strace $0x90000047  }
0x179: {  	[bflag:$0x2] =	sbarrier.arrive $0xFFFF  }
0x17a: {  	s0 =	rddreg [dreg:$0x4]  }
0x17b: {  	s0 =	sadd.s32 @!p0 $0x100000, s0  }
0x17c: {  	[sflag:s0] =	ssyncadd.tile.s32 @!p0 $0x1;
	_ =	shalt  }
.Lfunc_end2:
_tile_overlayer_lowered:
.L_overlay_start_2:
0x17d: {  	(tag) =	ssettag $0x2  }
0x17e: {  	s0 =	rddreg [dreg:$0x0];
	s2 =	stileid.u32  }
0x17f: {  	s1 =	rddreg [dreg:$0x1];
	p0 =	sne.s32 s2, $0x0  }
0x180: {  	s3 =	rddreg [dreg:$0x2];
	[bflag:$0x3] =	sbarrier.arrive $0xFFFF;
	s2 =	simm.s32 @!p0 $0x1C04  }
0x181: {  	[timem:s3], [sflag:s2] =	dma.local @!p0 [hbm:s0], s1  }
0x182: {  	s0 =	simm.s32 @!p0 $0x4  }
0x183: {  	_ =	swait.ge @!p0 [sflag:s0], s1  }
0x184: {  	s1 =	ssub.s32 @!p0 $0x0, s1;
	[sflag:s0] =	ssyncset.done @!p0 $0x0  }
0x185: {  	[sflag:s0] =	ssyncadd.s32 @!p0 s1  }
0x186: {  	[bflag:$0x3] =	sbarrier.arrive $0xFFFF  }
0x187: {  	_ =	shalt  }

</sc_bundles>
